<compile_context>
chip_gen: v7x
topology: tpu7x:2x2x1
jax: 0.10.2.dev20260603
libtpu: 0.0.44.dev20260713+nightly
codegen_flags: <defaults>
</compile_context>

<pallas_src>
import functools

import jax
import jax.numpy as jnp
from jax import lax
from jax.experimental import pallas as pl
from jax.experimental.pallas import tpu as pltpu
from jax.experimental.pallas import tpu_sc as plsc

_D_MODEL = 1024
_D_HEAD = 64
_N_HEADS = 64
_N_TOK = 2048
_K = 8
_N_OUT = _N_TOK * _K
_BN = 512


def _mm_body(x_ref, w_ref, b_ref, o_ref):
    acc = (
        jnp.dot(
            x_ref[...].astype(jnp.bfloat16),
            w_ref[...],
            preferred_element_type=jnp.float32,
        )
        + b_ref[...]
    )
    for i in range(_BN // 128):
        o_ref[i] = acc[:, i * 128 : (i + 1) * 128]


def _dense_all_heads(x, wt, bf):
    m, k = x.shape
    n = wt.shape[1]
    return pl.pallas_call(
        _mm_body,
        grid=(n // _BN,),
        in_specs=[
            pl.BlockSpec((m, k), lambda j: (0, 0)),
            pl.BlockSpec((k, _BN), lambda j: (0, j)),
            pl.BlockSpec((1, _BN), lambda j: (0, j)),
        ],
        out_specs=pl.BlockSpec((_BN // 128, m, 128), lambda j: (j, 0, 0)),
        out_shape=jax.ShapeDtypeStruct((n // 128, m, 128), jnp.float32),
    )(x, wt, bf)


_info = plsc.get_sparse_core_info()
_NC, _NS, _L = _info.num_cores, _info.num_subcores, _info.num_lanes
_NW = _NC * _NS
_BPW = _N_OUT // _NW
_CH = 128
_NCH = _BPW // _CH

_sc_mesh = plsc.VectorSubcoreMesh(core_axis_name="c", subcore_axis_name="s")


@functools.partial(
    pl.kernel,
    mesh=_sc_mesh,
    compiler_params=pltpu.CompilerParams(use_tc_tiling_on_sc=True),
    out_type=jax.ShapeDtypeStruct((_N_OUT, 128), jnp.float32),
    scratch_types=[
        pltpu.VMEM((_BPW,), jnp.int32),
        pltpu.VMEM((_BPW, 128), jnp.float32),
        pltpu.SemaphoreType.DMA,
        pltpu.SemaphoreType.DMA,
    ],
)
def _sc_gather(table_hbm, sel_hbm, out_hbm, idx_v, buf_v, sem, wsem):
    wid = lax.axis_index("s") * _NC + lax.axis_index("c")
    base = wid * _BPW
    pltpu.sync_copy(sel_hbm.at[pl.ds(base, _BPW)], idx_v)
    lanes = lax.iota(jnp.int32, _L)
    gpc = _CH // _L
    copies = []
    for c in range(_NCH):
        for j in range(c * gpc, (c + 1) * gpc):
            sel = idx_v[pl.ds(j * _L, _L)]
            t = (base + j * _L + lanes) >> 3
            idx_v[pl.ds(j * _L, _L)] = ((sel >> 1) << 11) + t
        copies.append(
            pltpu.async_copy(
                table_hbm.at[idx_v.at[pl.ds(c * _CH, _CH)]],
                buf_v.at[pl.ds(c * _CH, _CH)],
                sem,
            )
        )
    wcopies = []
    for c in range(_NCH):
        copies[c].wait()
        wcopies.append(
            pltpu.async_copy(
                buf_v.at[pl.ds(c * _CH, _CH)],
                out_hbm.at[pl.ds(base + c * _CH, _CH)],
                wsem,
            )
        )
    for wc in wcopies:
        wc.wait()


_TB = 512


def _sel_body(rows_ref, sel_ref, o_ref):
    rows3 = rows_ref[...].reshape(_TB, _K, 128)
    par = (sel_ref[...] & 1)[..., None]
    o_ref[...] = jnp.where(
        par == 1, rows3[:, :, _D_HEAD:], rows3[:, :, : _D_HEAD]
    )


def _parity_select(rows, sel2):
    return pl.pallas_call(
        _sel_body,
        grid=(_N_TOK // _TB,),
        in_specs=[
            pl.BlockSpec((_TB * _K, 128), lambda j: (j, 0)),
            pl.BlockSpec((_TB, _K), lambda j: (j, 0)),
        ],
        out_specs=pl.BlockSpec((_TB, _K, _D_HEAD), lambda j: (j, 0, 0)),
        out_shape=jax.ShapeDtypeStruct((_N_TOK, _K, _D_HEAD), jnp.float32),
    )(rows, sel2)


@jax.jit
def kernel(tensor, head_selections, W, b):
    wt = (
        jnp.transpose(W.astype(jnp.bfloat16), (1, 0, 2))
        .reshape(_D_MODEL, _N_HEADS * _D_HEAD)
    )
    table = _dense_all_heads(tensor, wt, b.reshape(1, -1))
    sel2 = head_selections.astype(jnp.int32)
    rows = _sc_gather(
        table.reshape((_N_HEADS * _D_HEAD // 128) * _N_TOK, 128),
        sel2.reshape(-1),
    )
    return _parity_select(rows, sel2)

# --- scband reference (transcript-rebuilt; emitter-appended) ---
"""Pipeline reference for scband-banked-make-head-17514876634071 (READ-ONLY COPY).

The authoritative reference and input builder live on the scoring server;
editing this copy changes nothing except your own understanding.
"""

import jax, jax.numpy as jnp
import numpy as np

D_MODEL = 1024
D_HEAD = 64
NUM_HEADS = 64
N_TOKENS = 2048
TOP_K = 8


def setup_inputs(seed: int = 0) -> dict:
    key = jax.random.key(seed)
    k1, k2, k3, k4 = jax.random.split(key, 4)
    tensor = jax.random.normal(k1, (N_TOKENS, D_MODEL), dtype=jnp.float32)
    head_selections = jax.random.randint(k2, (N_TOKENS, TOP_K), 0, NUM_HEADS, dtype=jnp.int64)
    # Banked linear parameters: one (d_model, d_head) projection per head bank
    W = jax.random.normal(k3, (NUM_HEADS, D_MODEL, D_HEAD), dtype=jnp.float32) * (1.0 / np.sqrt(D_MODEL))
    b = jax.random.normal(k4, (NUM_HEADS, D_HEAD), dtype=jnp.float32) * 0.01
    return {"tensor": tensor, "head_selections": head_selections, "W": W, "b": b}


def reference(tensor, head_selections, W, b):
    # BankedMakeHead.forward:
    #   tensor = tensor.unsqueeze(-2)            -> (..., 1, d_model)
    #   headed = BankedLinear(tensor, head_sel)  -> (..., k, d_head)
    # BankedLinear gathers per-selection weight banks and applies them:
    #   W_sel: (..., k, d_model, d_head), b_sel: (..., k, d_head)
    t = tensor[..., None, :]  # (..., 1, d_model) -- the unsqueeze(-2)
    W_sel = jnp.take(W, head_selections, axis=0)  # (..., k, d_model, d_head)
    b_sel = jnp.take(b, head_selections, axis=0)  # (..., k, d_head)
    # broadcasted matmul: (..., 1, d_model) x (..., k, d_model, d_head) -> (..., k, d_head)
    headed = jnp.einsum('...od,...kdh->...kh', t, W_sel) + b_sel
    return headed


if False:  # reference __main__ guard neutralized (emitter)
    out = reference(**setup_inputs())
    print(out.shape)

if __name__ == "__main__":
    import jax
    _d = setup_inputs()
    print(jax.jit(kernel)(*tuple(_d.values())))

</pallas_src>

<mosaic_0001>
#map = affine_map<(d0, d1) -> (0, 0)>
#map1 = affine_map<(d0, d1) -> (0)>
module attributes {stable_mosaic.version = 14 : i64} {
  func.func @_sc_gather(%arg0: i32, %arg1: i32, %arg2: memref<65536x128xf32, #tpu.memory_space<hbm>>, %arg3: memref<16384xi32, #tpu.memory_space<hbm>>, %arg4: memref<16384x128xf32, #tpu.memory_space<hbm>>, %arg5: memref<512xi32, #tpu.memory_space<vmem>>, %arg6: memref<512x128xf32, #tpu.memory_space<vmem>>, %arg7: memref<!tpu.dma_semaphore, #tpu.memory_space<semaphore_mem>>, %arg8: memref<!tpu.dma_semaphore, #tpu.memory_space<semaphore_mem>>) attributes {dimension_semantics = [#tpu.dimension_semantics<core_parallel>, #tpu.dimension_semantics<subcore_parallel>], iteration_bounds = array<i64: 2, 16>, scalar_prefetch = 0 : i64, scratch_operands = 4 : i64, tpu.core_type = #tpu.core_type<sc_vector_subcore>, window_params = [{transform_indices = #map}, {transform_indices = #map1}, {transform_indices = #map}]} {
    %mul3A = arith.constant 2 : i32
    %mul3A_0 = arith.muli %arg1, %mul3A : i32
    %add3A = arith.addi %mul3A_0, %arg0 : i32
    %mul3A_1 = arith.constant 512 : i32
    %mul3A_2 = arith.muli %add3A, %mul3A_1 : i32
    "tpu.region"() ({
      %run_scoped3A = tpu.sem_alloc : memref<!tpu.dma_semaphore, #tpu.memory_space<semaphore_mem>>
      %dma_start3A_821 = tpu.memref_slice %arg3[%mul3A_2] : memref<16384xi32, #tpu.memory_space<hbm>> -> memref<512xi32, #tpu.memory_space<hbm>>
      %dma_start3A_822 = tpu.memref_slice %arg3[%mul3A_2] : memref<16384xi32, #tpu.memory_space<hbm>> -> memref<512xi32, #tpu.memory_space<hbm>>
      tpu.enqueue_dma source(%dma_start3A_822 : memref<512xi32, #tpu.memory_space<hbm>>) target(%arg5 : memref<512xi32, #tpu.memory_space<vmem>>) target_semaphore(%run_scoped3A : memref<!tpu.dma_semaphore, #tpu.memory_space<semaphore_mem>>)
      %dma_wait3A_823 = tpu.memref_slice %arg3[%mul3A_2] : memref<16384xi32, #tpu.memory_space<hbm>> -> memref<512xi32, #tpu.memory_space<hbm>>
      %dma_wait3A_824 = tpu.memref_slice %arg3[%mul3A_2] : memref<16384xi32, #tpu.memory_space<hbm>> -> memref<512xi32, #tpu.memory_space<hbm>>
      tpu.wait_dma2 semaphore(%run_scoped3A : memref<!tpu.dma_semaphore, #tpu.memory_space<semaphore_mem>>) src(%dma_wait3A_824 : memref<512xi32, #tpu.memory_space<hbm>>) dst(%arg5 : memref<512xi32, #tpu.memory_space<vmem>>)
      tpu.yield
    }) : () -> ()
    %iota3A = tpu.iota {dimensions = array<i32: 0>} : vector<16xi32>
    %get3A = arith.constant 0 : index
    %get3A_3 = tpu.vector_load %arg5[%get3A] {strides = array<i32>} : memref<512xi32, #tpu.memory_space<vmem>>, vector<16xi32>,
    %get3A_4 = vector.shape_cast %get3A_3 : vector<16xi32> to vector<16xi32>
    %add3A_5 = arith.constant 0 : i32
    %add3A_6 = arith.addi %mul3A_2, %add3A_5 : i32
    %add3A_7 = vector.broadcast %add3A_6 : i32 to vector<16xi32>
    %add3A_8 = arith.addi %add3A_7, %iota3A : vector<16xi32>
    %shift_right_arithmetic3A = arith.constant 3 : i32
    %shift_right_arithmetic3A_9 = vector.broadcast %shift_right_arithmetic3A : i32 to vector<16xi32>
    %shift_right_arithmetic3A_10 = arith.shrsi %add3A_8, %shift_right_arithmetic3A_9 : vector<16xi32>
    %shift_right_arithmetic3A_11 = arith.constant 1 : i32
    %shift_right_arithmetic3A_12 = vector.broadcast %shift_right_arithmetic3A_11 : i32 to vector<16xi32>
    %shift_right_arithmetic3A_13 = arith.shrsi %get3A_4, %shift_right_arithmetic3A_12 : vector<16xi32>
    %shift_left3A = arith.constant 11 : i32
    %shift_left3A_14 = vector.broadcast %shift_left3A : i32 to vector<16xi32>
    %shift_left3A_15 = arith.shli %shift_right_arithmetic3A_13, %shift_left3A_14 : vector<16xi32>
    %add3A_16 = arith.addi %shift_left3A_15, %shift_right_arithmetic3A_10 : vector<16xi32>
    %swap3A = arith.constant 0 : index
    %swap3A_17 = tpu.vector_load %arg5[%swap3A] {strides = array<i32>} : memref<512xi32, #tpu.memory_space<vmem>>, vector<16xi32>,
    %swap3A_18 = vector.shape_cast %swap3A_17 : vector<16xi32> to vector<16xi32>
    %swap3A_19 = vector.shape_cast %add3A_16 : vector<16xi32> to vector<16xi32>
    tpu.vector_store %arg5[%swap3A], %swap3A_19 {strides = array<i32>} : memref<512xi32, #tpu.memory_space<vmem>>, vector<16xi32>,
    %get3A_20 = arith.constant 16 : index
    %get3A_21 = tpu.vector_load %arg5[%get3A_20] {strides = array<i32>} : memref<512xi32, #tpu.memory_space<vmem>>, vector<16xi32>,
    %get3A_22 = vector.shape_cast %get3A_21 : vector<16xi32> to vector<16xi32>
    %add3A_23 = arith.constant 16 : i32
    %add3A_24 = arith.addi %mul3A_2, %add3A_23 : i32
    %add3A_25 = vector.broadcast %add3A_24 : i32 to vector<16xi32>
    %add3A_26 = arith.addi %add3A_25, %iota3A : vector<16xi32>
    %shift_right_arithmetic3A_27 = arith.constant 3 : i32
    %shift_right_arithmetic3A_28 = vector.broadcast %shift_right_arithmetic3A_27 : i32 to vector<16xi32>
    %shift_right_arithmetic3A_29 = arith.shrsi %add3A_26, %shift_right_arithmetic3A_28 : vector<16xi32>
    %shift_right_arithmetic3A_30 = arith.constant 1 : i32
    %shift_right_arithmetic3A_31 = vector.broadcast %shift_right_arithmetic3A_30 : i32 to vector<16xi32>
    %shift_right_arithmetic3A_32 = arith.shrsi %get3A_22, %shift_right_arithmetic3A_31 : vector<16xi32>
    %shift_left3A_33 = arith.constant 11 : i32
    %shift_left3A_34 = vector.broadcast %shift_left3A_33 : i32 to vector<16xi32>
    %shift_left3A_35 = arith.shli %shift_right_arithmetic3A_32, %shift_left3A_34 : vector<16xi32>
    %add3A_36 = arith.addi %shift_left3A_35, %shift_right_arithmetic3A_29 : vector<16xi32>
    %swap3A_37 = arith.constant 16 : index
    %swap3A_38 = tpu.vector_load %arg5[%swap3A_37] {strides = array<i32>} : memref<512xi32, #tpu.memory_space<vmem>>, vector<16xi32>,
    %swap3A_39 = vector.shape_cast %swap3A_38 : vector<16xi32> to vector<16xi32>
    %swap3A_40 = vector.shape_cast %add3A_36 : vector<16xi32> to vector<16xi32>
    tpu.vector_store %arg5[%swap3A_37], %swap3A_40 {strides = array<i32>} : memref<512xi32, #tpu.memory_space<vmem>>, vector<16xi32>,
    %get3A_41 = arith.constant 32 : index
    %get3A_42 = tpu.vector_load %arg5[%get3A_41] {strides = array<i32>} : memref<512xi32, #tpu.memory_space<vmem>>, vector<16xi32>,
    %get3A_43 = vector.shape_cast %get3A_42 : vector<16xi32> to vector<16xi32>
    %add3A_44 = arith.constant 32 : i32
    %add3A_45 = arith.addi %mul3A_2, %add3A_44 : i32
    %add3A_46 = vector.broadcast %add3A_45 : i32 to vector<16xi32>
    %add3A_47 = arith.addi %add3A_46, %iota3A : vector<16xi32>
    %shift_right_arithmetic3A_48 = arith.constant 3 : i32
    %shift_right_arithmetic3A_49 = vector.broadcast %shift_right_arithmetic3A_48 : i32 to vector<16xi32>
    %shift_right_arithmetic3A_50 = arith.shrsi %add3A_47, %shift_right_arithmetic3A_49 : vector<16xi32>
    %shift_right_arithmetic3A_51 = arith.constant 1 : i32
    %shift_right_arithmetic3A_52 = vector.broadcast %shift_right_arithmetic3A_51 : i32 to vector<16xi32>
    %shift_right_arithmetic3A_53 = arith.shrsi %get3A_43, %shift_right_arithmetic3A_52 : vector<16xi32>
    %shift_left3A_54 = arith.constant 11 : i32
    %shift_left3A_55 = vector.broadcast %shift_left3A_54 : i32 to vector<16xi32>
    %shift_left3A_56 = arith.shli %shift_right_arithmetic3A_53, %shift_left3A_55 : vector<16xi32>
    %add3A_57 = arith.addi %shift_left3A_56, %shift_right_arithmetic3A_50 : vector<16xi32>
    %swap3A_58 = arith.constant 32 : index
    %swap3A_59 = tpu.vector_load %arg5[%swap3A_58] {strides = array<i32>} : memref<512xi32, #tpu.memory_space<vmem>>, vector<16xi32>,
    %swap3A_60 = vector.shape_cast %swap3A_59 : vector<16xi32> to vector<16xi32>
    %swap3A_61 = vector.shape_cast %add3A_57 : vector<16xi32> to vector<16xi32>
    tpu.vector_store %arg5[%swap3A_58], %swap3A_61 {strides = array<i32>} : memref<512xi32, #tpu.memory_space<vmem>>, vector<16xi32>,
    %get3A_62 = arith.constant 48 : index
    %get3A_63 = tpu.vector_load %arg5[%get3A_62] {strides = array<i32>} : memref<512xi32, #tpu.memory_space<vmem>>, vector<16xi32>,
    %get3A_64 = vector.shape_cast %get3A_63 : vector<16xi32> to vector<16xi32>
    %add3A_65 = arith.constant 48 : i32
    %add3A_66 = arith.addi %mul3A_2, %add3A_65 : i32
    %add3A_67 = vector.broadcast %add3A_66 : i32 to vector<16xi32>
    %add3A_68 = arith.addi %add3A_67, %iota3A : vector<16xi32>
    %shift_right_arithmetic3A_69 = arith.constant 3 : i32
    %shift_right_arithmetic3A_70 = vector.broadcast %shift_right_arithmetic3A_69 : i32 to vector<16xi32>
    %shift_right_arithmetic3A_71 = arith.shrsi %add3A_68, %shift_right_arithmetic3A_70 : vector<16xi32>
    %shift_right_arithmetic3A_72 = arith.constant 1 : i32
    %shift_right_arithmetic3A_73 = vector.broadcast %shift_right_arithmetic3A_72 : i32 to vector<16xi32>
    %shift_right_arithmetic3A_74 = arith.shrsi %get3A_64, %shift_right_arithmetic3A_73 : vector<16xi32>
    %shift_left3A_75 = arith.constant 11 : i32
    %shift_left3A_76 = vector.broadcast %shift_left3A_75 : i32 to vector<16xi32>
    %shift_left3A_77 = arith.shli %shift_right_arithmetic3A_74, %shift_left3A_76 : vector<16xi32>
    %add3A_78 = arith.addi %shift_left3A_77, %shift_right_arithmetic3A_71 : vector<16xi32>
    %swap3A_79 = arith.constant 48 : index
    %swap3A_80 = tpu.vector_load %arg5[%swap3A_79] {strides = array<i32>} : memref<512xi32, #tpu.memory_space<vmem>>, vector<16xi32>,
    %swap3A_81 = vector.shape_cast %swap3A_80 : vector<16xi32> to vector<16xi32>
    %swap3A_82 = vector.shape_cast %add3A_78 : vector<16xi32> to vector<16xi32>
    tpu.vector_store %arg5[%swap3A_79], %swap3A_82 {strides = array<i32>} : memref<512xi32, #tpu.memory_space<vmem>>, vector<16xi32>,
    %get3A_83 = arith.constant 64 : index
    %get3A_84 = tpu.vector_load %arg5[%get3A_83] {strides = array<i32>} : memref<512xi32, #tpu.memory_space<vmem>>, vector<16xi32>,
    %get3A_85 = vector.shape_cast %get3A_84 : vector<16xi32> to vector<16xi32>
    %add3A_86 = arith.constant 64 : i32
    %add3A_87 = arith.addi %mul3A_2, %add3A_86 : i32
    %add3A_88 = vector.broadcast %add3A_87 : i32 to vector<16xi32>
    %add3A_89 = arith.addi %add3A_88, %iota3A : vector<16xi32>
    %shift_right_arithmetic3A_90 = arith.constant 3 : i32
    %shift_right_arithmetic3A_91 = vector.broadcast %shift_right_arithmetic3A_90 : i32 to vector<16xi32>
    %shift_right_arithmetic3A_92 = arith.shrsi %add3A_89, %shift_right_arithmetic3A_91 : vector<16xi32>
    %shift_right_arithmetic3A_93 = arith.constant 1 : i32
    %shift_right_arithmetic3A_94 = vector.broadcast %shift_right_arithmetic3A_93 : i32 to vector<16xi32>
    %shift_right_arithmetic3A_95 = arith.shrsi %get3A_85, %shift_right_arithmetic3A_94 : vector<16xi32>
    %shift_left3A_96 = arith.constant 11 : i32
    %shift_left3A_97 = vector.broadcast %shift_left3A_96 : i32 to vector<16xi32>
    %shift_left3A_98 = arith.shli %shift_right_arithmetic3A_95, %shift_left3A_97 : vector<16xi32>
    %add3A_99 = arith.addi %shift_left3A_98, %shift_right_arithmetic3A_92 : vector<16xi32>
    %swap3A_100 = arith.constant 64 : index
    %swap3A_101 = tpu.vector_load %arg5[%swap3A_100] {strides = array<i32>} : memref<512xi32, #tpu.memory_space<vmem>>, vector<16xi32>,
    %swap3A_102 = vector.shape_cast %swap3A_101 : vector<16xi32> to vector<16xi32>
    %swap3A_103 = vector.shape_cast %add3A_99 : vector<16xi32> to vector<16xi32>
    tpu.vector_store %arg5[%swap3A_100], %swap3A_103 {strides = array<i32>} : memref<512xi32, #tpu.memory_space<vmem>>, vector<16xi32>,
    %get3A_104 = arith.constant 80 : index
    %get3A_105 = tpu.vector_load %arg5[%get3A_104] {strides = array<i32>} : memref<512xi32, #tpu.memory_space<vmem>>, vector<16xi32>,
    %get3A_106 = vector.shape_cast %get3A_105 : vector<16xi32> to vector<16xi32>
    %add3A_107 = arith.constant 80 : i32
    %add3A_108 = arith.addi %mul3A_2, %add3A_107 : i32
    %add3A_109 = vector.broadcast %add3A_108 : i32 to vector<16xi32>
    %add3A_110 = arith.addi %add3A_109, %iota3A : vector<16xi32>
    %shift_right_arithmetic3A_111 = arith.constant 3 : i32
    %shift_right_arithmetic3A_112 = vector.broadcast %shift_right_arithmetic3A_111 : i32 to vector<16xi32>
    %shift_right_arithmetic3A_113 = arith.shrsi %add3A_110, %shift_right_arithmetic3A_112 : vector<16xi32>
    %shift_right_arithmetic3A_114 = arith.constant 1 : i32
    %shift_right_arithmetic3A_115 = vector.broadcast %shift_right_arithmetic3A_114 : i32 to vector<16xi32>
    %shift_right_arithmetic3A_116 = arith.shrsi %get3A_106, %shift_right_arithmetic3A_115 : vector<16xi32>
    %shift_left3A_117 = arith.constant 11 : i32
    %shift_left3A_118 = vector.broadcast %shift_left3A_117 : i32 to vector<16xi32>
    %shift_left3A_119 = arith.shli %shift_right_arithmetic3A_116, %shift_left3A_118 : vector<16xi32>
    %add3A_120 = arith.addi %shift_left3A_119, %shift_right_arithmetic3A_113 : vector<16xi32>
    %swap3A_121 = arith.constant 80 : index
    %swap3A_122 = tpu.vector_load %arg5[%swap3A_121] {strides = array<i32>} : memref<512xi32, #tpu.memory_space<vmem>>, vector<16xi32>,
    %swap3A_123 = vector.shape_cast %swap3A_122 : vector<16xi32> to vector<16xi32>
    %swap3A_124 = vector.shape_cast %add3A_120 : vector<16xi32> to vector<16xi32>
    tpu.vector_store %arg5[%swap3A_121], %swap3A_124 {strides = array<i32>} : memref<512xi32, #tpu.memory_space<vmem>>, vector<16xi32>,
    %get3A_125 = arith.constant 96 : index
    %get3A_126 = tpu.vector_load %arg5[%get3A_125] {strides = array<i32>} : memref<512xi32, #tpu.memory_space<vmem>>, vector<16xi32>,
    %get3A_127 = vector.shape_cast %get3A_126 : vector<16xi32> to vector<16xi32>
    %add3A_128 = arith.constant 96 : i32
    %add3A_129 = arith.addi %mul3A_2, %add3A_128 : i32
    %add3A_130 = vector.broadcast %add3A_129 : i32 to vector<16xi32>
    %add3A_131 = arith.addi %add3A_130, %iota3A : vector<16xi32>
    %shift_right_arithmetic3A_132 = arith.constant 3 : i32
    %shift_right_arithmetic3A_133 = vector.broadcast %shift_right_arithmetic3A_132 : i32 to vector<16xi32>
    %shift_right_arithmetic3A_134 = arith.shrsi %add3A_131, %shift_right_arithmetic3A_133 : vector<16xi32>
    %shift_right_arithmetic3A_135 = arith.constant 1 : i32
    %shift_right_arithmetic3A_136 = vector.broadcast %shift_right_arithmetic3A_135 : i32 to vector<16xi32>
    %shift_right_arithmetic3A_137 = arith.shrsi %get3A_127, %shift_right_arithmetic3A_136 : vector<16xi32>
    %shift_left3A_138 = arith.constant 11 : i32
    %shift_left3A_139 = vector.broadcast %shift_left3A_138 : i32 to vector<16xi32>
    %shift_left3A_140 = arith.shli %shift_right_arithmetic3A_137, %shift_left3A_139 : vector<16xi32>
    %add3A_141 = arith.addi %shift_left3A_140, %shift_right_arithmetic3A_134 : vector<16xi32>
    %swap3A_142 = arith.constant 96 : index
    %swap3A_143 = tpu.vector_load %arg5[%swap3A_142] {strides = array<i32>} : memref<512xi32, #tpu.memory_space<vmem>>, vector<16xi32>,
    %swap3A_144 = vector.shape_cast %swap3A_143 : vector<16xi32> to vector<16xi32>
    %swap3A_145 = vector.shape_cast %add3A_141 : vector<16xi32> to vector<16xi32>
    tpu.vector_store %arg5[%swap3A_142], %swap3A_145 {strides = array<i32>} : memref<512xi32, #tpu.memory_space<vmem>>, vector<16xi32>,
    %get3A_146 = arith.constant 112 : index
    %get3A_147 = tpu.vector_load %arg5[%get3A_146] {strides = array<i32>} : memref<512xi32, #tpu.memory_space<vmem>>, vector<16xi32>,
    %get3A_148 = vector.shape_cast %get3A_147 : vector<16xi32> to vector<16xi32>
    %add3A_149 = arith.constant 112 : i32
    %add3A_150 = arith.addi %mul3A_2, %add3A_149 : i32
    %add3A_151 = vector.broadcast %add3A_150 : i32 to vector<16xi32>
    %add3A_152 = arith.addi %add3A_151, %iota3A : vector<16xi32>
    %shift_right_arithmetic3A_153 = arith.constant 3 : i32
    %shift_right_arithmetic3A_154 = vector.broadcast %shift_right_arithmetic3A_153 : i32 to vector<16xi32>
    %shift_right_arithmetic3A_155 = arith.shrsi %add3A_152, %shift_right_arithmetic3A_154 : vector<16xi32>
    %shift_right_arithmetic3A_156 = arith.constant 1 : i32
    %shift_right_arithmetic3A_157 = vector.broadcast %shift_right_arithmetic3A_156 : i32 to vector<16xi32>
    %shift_right_arithmetic3A_158 = arith.shrsi %get3A_148, %shift_right_arithmetic3A_157 : vector<16xi32>
    %shift_left3A_159 = arith.constant 11 : i32
    %shift_left3A_160 = vector.broadcast %shift_left3A_159 : i32 to vector<16xi32>
    %shift_left3A_161 = arith.shli %shift_right_arithmetic3A_158, %shift_left3A_160 : vector<16xi32>
    %add3A_162 = arith.addi %shift_left3A_161, %shift_right_arithmetic3A_155 : vector<16xi32>
    %swap3A_163 = arith.constant 112 : index
    %swap3A_164 = tpu.vector_load %arg5[%swap3A_163] {strides = array<i32>} : memref<512xi32, #tpu.memory_space<vmem>>, vector<16xi32>,
    %swap3A_165 = vector.shape_cast %swap3A_164 : vector<16xi32> to vector<16xi32>
    %swap3A_166 = vector.shape_cast %add3A_162 : vector<16xi32> to vector<16xi32>
    tpu.vector_store %arg5[%swap3A_163], %swap3A_166 {strides = array<i32>} : memref<512xi32, #tpu.memory_space<vmem>>, vector<16xi32>,
    %dma_start3A = arith.constant 0 : i32
    %dma_start3A_167 = arith.constant 0 : i32
    %dma_start3A_168 = tpu.memref_slice %arg6[%dma_start3A, %dma_start3A_167] : memref<512x128xf32, #tpu.memory_space<vmem>> -> memref<128x128xf32, #tpu.memory_space<vmem>>
    %dma_start3A_169 = arith.constant 0 : i32
    %dma_start3A_170 = tpu.memref_slice %arg5[%dma_start3A_169] : memref<512xi32, #tpu.memory_space<vmem>> -> memref<128xi32, #tpu.memory_space<vmem>>
    %dma_start3A_171 = arith.constant 0 : i32
    %dma_start3A_172 = arith.constant 0 : i32
    %dma_start3A_173 = tpu.memref_slice %arg2[%dma_start3A_171, %dma_start3A_172] : memref<65536x128xf32, #tpu.memory_space<hbm>> -> memref<65536x128xf32, #tpu.memory_space<hbm>>
    tpu.enqueue_indirect_dma source(%dma_start3A_173 : memref<65536x128xf32, #tpu.memory_space<hbm>>) target(%dma_start3A_168 : memref<128x128xf32, #tpu.memory_space<vmem>>) offsets(%dma_start3A_170 : memref<128xi32, #tpu.memory_space<vmem>>) semaphore(%arg7 : memref<!tpu.dma_semaphore, #tpu.memory_space<semaphore_mem>>)
    %get3A_174 = arith.constant 128 : index
    %get3A_175 = tpu.vector_load %arg5[%get3A_174] {strides = array<i32>} : memref<512xi32, #tpu.memory_space<vmem>>, vector<16xi32>,
    %get3A_176 = vector.shape_cast %get3A_175 : vector<16xi32> to vector<16xi32>
    %add3A_177 = arith.constant 128 : i32
    %add3A_178 = arith.addi %mul3A_2, %add3A_177 : i32
    %add3A_179 = vector.broadcast %add3A_178 : i32 to vector<16xi32>
    %add3A_180 = arith.addi %add3A_179, %iota3A : vector<16xi32>
    %shift_right_arithmetic3A_181 = arith.constant 3 : i32
    %shift_right_arithmetic3A_182 = vector.broadcast %shift_right_arithmetic3A_181 : i32 to vector<16xi32>
    %shift_right_arithmetic3A_183 = arith.shrsi %add3A_180, %shift_right_arithmetic3A_182 : vector<16xi32>
    %shift_right_arithmetic3A_184 = arith.constant 1 : i32
    %shift_right_arithmetic3A_185 = vector.broadcast %shift_right_arithmetic3A_184 : i32 to vector<16xi32>
    %shift_right_arithmetic3A_186 = arith.shrsi %get3A_176, %shift_right_arithmetic3A_185 : vector<16xi32>
    %shift_left3A_187 = arith.constant 11 : i32
    %shift_left3A_188 = vector.broadcast %shift_left3A_187 : i32 to vector<16xi32>
    %shift_left3A_189 = arith.shli %shift_right_arithmetic3A_186, %shift_left3A_188 : vector<16xi32>
    %add3A_190 = arith.addi %shift_left3A_189, %shift_right_arithmetic3A_183 : vector<16xi32>
    %swap3A_191 = arith.constant 128 : index
    %swap3A_192 = tpu.vector_load %arg5[%swap3A_191] {strides = array<i32>} : memref<512xi32, #tpu.memory_space<vmem>>, vector<16xi32>,
    %swap3A_193 = vector.shape_cast %swap3A_192 : vector<16xi32> to vector<16xi32>
    %swap3A_194 = vector.shape_cast %add3A_190 : vector<16xi32> to vector<16xi32>
    tpu.vector_store %arg5[%swap3A_191], %swap3A_194 {strides = array<i32>} : memref<512xi32, #tpu.memory_space<vmem>>, vector<16xi32>,
    %get3A_195 = arith.constant 144 : index
    %get3A_196 = tpu.vector_load %arg5[%get3A_195] {strides = array<i32>} : memref<512xi32, #tpu.memory_space<vmem>>, vector<16xi32>,
    %get3A_197 = vector.shape_cast %get3A_196 : vector<16xi32> to vector<16xi32>
    %add3A_198 = arith.constant 144 : i32
    %add3A_199 = arith.addi %mul3A_2, %add3A_198 : i32
    %add3A_200 = vector.broadcast %add3A_199 : i32 to vector<16xi32>
    %add3A_201 = arith.addi %add3A_200, %iota3A : vector<16xi32>
    %shift_right_arithmetic3A_202 = arith.constant 3 : i32
    %shift_right_arithmetic3A_203 = vector.broadcast %shift_right_arithmetic3A_202 : i32 to vector<16xi32>
    %shift_right_arithmetic3A_204 = arith.shrsi %add3A_201, %shift_right_arithmetic3A_203 : vector<16xi32>
    %shift_right_arithmetic3A_205 = arith.constant 1 : i32
    %shift_right_arithmetic3A_206 = vector.broadcast %shift_right_arithmetic3A_205 : i32 to vector<16xi32>
    %shift_right_arithmetic3A_207 = arith.shrsi %get3A_197, %shift_right_arithmetic3A_206 : vector<16xi32>
    %shift_left3A_208 = arith.constant 11 : i32
    %shift_left3A_209 = vector.broadcast %shift_left3A_208 : i32 to vector<16xi32>
    %shift_left3A_210 = arith.shli %shift_right_arithmetic3A_207, %shift_left3A_209 : vector<16xi32>
    %add3A_211 = arith.addi %shift_left3A_210, %shift_right_arithmetic3A_204 : vector<16xi32>
    %swap3A_212 = arith.constant 144 : index
    %swap3A_213 = tpu.vector_load %arg5[%swap3A_212] {strides = array<i32>} : memref<512xi32, #tpu.memory_space<vmem>>, vector<16xi32>,
    %swap3A_214 = vector.shape_cast %swap3A_213 : vector<16xi32> to vector<16xi32>
    %swap3A_215 = vector.shape_cast %add3A_211 : vector<16xi32> to vector<16xi32>
    tpu.vector_store %arg5[%swap3A_212], %swap3A_215 {strides = array<i32>} : memref<512xi32, #tpu.memory_space<vmem>>, vector<16xi32>,
    %get3A_216 = arith.constant 160 : index
    %get3A_217 = tpu.vector_load %arg5[%get3A_216] {strides = array<i32>} : memref<512xi32, #tpu.memory_space<vmem>>, vector<16xi32>,
    %get3A_218 = vector.shape_cast %get3A_217 : vector<16xi32> to vector<16xi32>
    %add3A_219 = arith.constant 160 : i32
    %add3A_220 = arith.addi %mul3A_2, %add3A_219 : i32
    %add3A_221 = vector.broadcast %add3A_220 : i32 to vector<16xi32>
    %add3A_222 = arith.addi %add3A_221, %iota3A : vector<16xi32>
    %shift_right_arithmetic3A_223 = arith.constant 3 : i32
    %shift_right_arithmetic3A_224 = vector.broadcast %shift_right_arithmetic3A_223 : i32 to vector<16xi32>
    %shift_right_arithmetic3A_225 = arith.shrsi %add3A_222, %shift_right_arithmetic3A_224 : vector<16xi32>
    %shift_right_arithmetic3A_226 = arith.constant 1 : i32
    %shift_right_arithmetic3A_227 = vector.broadcast %shift_right_arithmetic3A_226 : i32 to vector<16xi32>
    %shift_right_arithmetic3A_228 = arith.shrsi %get3A_218, %shift_right_arithmetic3A_227 : vector<16xi32>
    %shift_left3A_229 = arith.constant 11 : i32
    %shift_left3A_230 = vector.broadcast %shift_left3A_229 : i32 to vector<16xi32>
    %shift_left3A_231 = arith.shli %shift_right_arithmetic3A_228, %shift_left3A_230 : vector<16xi32>
    %add3A_232 = arith.addi %shift_left3A_231, %shift_right_arithmetic3A_225 : vector<16xi32>
    %swap3A_233 = arith.constant 160 : index
    %swap3A_234 = tpu.vector_load %arg5[%swap3A_233] {strides = array<i32>} : memref<512xi32, #tpu.memory_space<vmem>>, vector<16xi32>,
    %swap3A_235 = vector.shape_cast %swap3A_234 : vector<16xi32> to vector<16xi32>
    %swap3A_236 = vector.shape_cast %add3A_232 : vector<16xi32> to vector<16xi32>
    tpu.vector_store %arg5[%swap3A_233], %swap3A_236 {strides = array<i32>} : memref<512xi32, #tpu.memory_space<vmem>>, vector<16xi32>,
    %get3A_237 = arith.constant 176 : index
    %get3A_238 = tpu.vector_load %arg5[%get3A_237] {strides = array<i32>} : memref<512xi32, #tpu.memory_space<vmem>>, vector<16xi32>,
    %get3A_239 = vector.shape_cast %get3A_238 : vector<16xi32> to vector<16xi32>
    %add3A_240 = arith.constant 176 : i32
    %add3A_241 = arith.addi %mul3A_2, %add3A_240 : i32
    %add3A_242 = vector.broadcast %add3A_241 : i32 to vector<16xi32>
    %add3A_243 = arith.addi %add3A_242, %iota3A : vector<16xi32>
    %shift_right_arithmetic3A_244 = arith.constant 3 : i32
    %shift_right_arithmetic3A_245 = vector.broadcast %shift_right_arithmetic3A_244 : i32 to vector<16xi32>
    %shift_right_arithmetic3A_246 = arith.shrsi %add3A_243, %shift_right_arithmetic3A_245 : vector<16xi32>
    %shift_right_arithmetic3A_247 = arith.constant 1 : i32
    %shift_right_arithmetic3A_248 = vector.broadcast %shift_right_arithmetic3A_247 : i32 to vector<16xi32>
    %shift_right_arithmetic3A_249 = arith.shrsi %get3A_239, %shift_right_arithmetic3A_248 : vector<16xi32>
    %shift_left3A_250 = arith.constant 11 : i32
    %shift_left3A_251 = vector.broadcast %shift_left3A_250 : i32 to vector<16xi32>
    %shift_left3A_252 = arith.shli %shift_right_arithmetic3A_249, %shift_left3A_251 : vector<16xi32>
    %add3A_253 = arith.addi %shift_left3A_252, %shift_right_arithmetic3A_246 : vector<16xi32>
    %swap3A_254 = arith.constant 176 : index
    %swap3A_255 = tpu.vector_load %arg5[%swap3A_254] {strides = array<i32>} : memref<512xi32, #tpu.memory_space<vmem>>, vector<16xi32>,
    %swap3A_256 = vector.shape_cast %swap3A_255 : vector<16xi32> to vector<16xi32>
    %swap3A_257 = vector.shape_cast %add3A_253 : vector<16xi32> to vector<16xi32>
    tpu.vector_store %arg5[%swap3A_254], %swap3A_257 {strides = array<i32>} : memref<512xi32, #tpu.memory_space<vmem>>, vector<16xi32>,
    %get3A_258 = arith.constant 192 : index
    %get3A_259 = tpu.vector_load %arg5[%get3A_258] {strides = array<i32>} : memref<512xi32, #tpu.memory_space<vmem>>, vector<16xi32>,
    %get3A_260 = vector.shape_cast %get3A_259 : vector<16xi32> to vector<16xi32>
    %add3A_261 = arith.constant 192 : i32
    %add3A_262 = arith.addi %mul3A_2, %add3A_261 : i32
    %add3A_263 = vector.broadcast %add3A_262 : i32 to vector<16xi32>
    %add3A_264 = arith.addi %add3A_263, %iota3A : vector<16xi32>
    %shift_right_arithmetic3A_265 = arith.constant 3 : i32
    %shift_right_arithmetic3A_266 = vector.broadcast %shift_right_arithmetic3A_265 : i32 to vector<16xi32>
    %shift_right_arithmetic3A_267 = arith.shrsi %add3A_264, %shift_right_arithmetic3A_266 : vector<16xi32>
    %shift_right_arithmetic3A_268 = arith.constant 1 : i32
    %shift_right_arithmetic3A_269 = vector.broadcast %shift_right_arithmetic3A_268 : i32 to vector<16xi32>
    %shift_right_arithmetic3A_270 = arith.shrsi %get3A_260, %shift_right_arithmetic3A_269 : vector<16xi32>
    %shift_left3A_271 = arith.constant 11 : i32
    %shift_left3A_272 = vector.broadcast %shift_left3A_271 : i32 to vector<16xi32>
    %shift_left3A_273 = arith.shli %shift_right_arithmetic3A_270, %shift_left3A_272 : vector<16xi32>
    %add3A_274 = arith.addi %shift_left3A_273, %shift_right_arithmetic3A_267 : vector<16xi32>
    %swap3A_275 = arith.constant 192 : index
    %swap3A_276 = tpu.vector_load %arg5[%swap3A_275] {strides = array<i32>} : memref<512xi32, #tpu.memory_space<vmem>>, vector<16xi32>,
    %swap3A_277 = vector.shape_cast %swap3A_276 : vector<16xi32> to vector<16xi32>
    %swap3A_278 = vector.shape_cast %add3A_274 : vector<16xi32> to vector<16xi32>
    tpu.vector_store %arg5[%swap3A_275], %swap3A_278 {strides = array<i32>} : memref<512xi32, #tpu.memory_space<vmem>>, vector<16xi32>,
    %get3A_279 = arith.constant 208 : index
    %get3A_280 = tpu.vector_load %arg5[%get3A_279] {strides = array<i32>} : memref<512xi32, #tpu.memory_space<vmem>>, vector<16xi32>,
    %get3A_281 = vector.shape_cast %get3A_280 : vector<16xi32> to vector<16xi32>
    %add3A_282 = arith.constant 208 : i32
    %add3A_283 = arith.addi %mul3A_2, %add3A_282 : i32
    %add3A_284 = vector.broadcast %add3A_283 : i32 to vector<16xi32>
    %add3A_285 = arith.addi %add3A_284, %iota3A : vector<16xi32>
    %shift_right_arithmetic3A_286 = arith.constant 3 : i32
    %shift_right_arithmetic3A_287 = vector.broadcast %shift_right_arithmetic3A_286 : i32 to vector<16xi32>
    %shift_right_arithmetic3A_288 = arith.shrsi %add3A_285, %shift_right_arithmetic3A_287 : vector<16xi32>
    %shift_right_arithmetic3A_289 = arith.constant 1 : i32
    %shift_right_arithmetic3A_290 = vector.broadcast %shift_right_arithmetic3A_289 : i32 to vector<16xi32>
    %shift_right_arithmetic3A_291 = arith.shrsi %get3A_281, %shift_right_arithmetic3A_290 : vector<16xi32>
    %shift_left3A_292 = arith.constant 11 : i32
    %shift_left3A_293 = vector.broadcast %shift_left3A_292 : i32 to vector<16xi32>
    %shift_left3A_294 = arith.shli %shift_right_arithmetic3A_291, %shift_left3A_293 : vector<16xi32>
    %add3A_295 = arith.addi %shift_left3A_294, %shift_right_arithmetic3A_288 : vector<16xi32>
    %swap3A_296 = arith.constant 208 : index
    %swap3A_297 = tpu.vector_load %arg5[%swap3A_296] {strides = array<i32>} : memref<512xi32, #tpu.memory_space<vmem>>, vector<16xi32>,
    %swap3A_298 = vector.shape_cast %swap3A_297 : vector<16xi32> to vector<16xi32>
    %swap3A_299 = vector.shape_cast %add3A_295 : vector<16xi32> to vector<16xi32>
    tpu.vector_store %arg5[%swap3A_296], %swap3A_299 {strides = array<i32>} : memref<512xi32, #tpu.memory_space<vmem>>, vector<16xi32>,
    %get3A_300 = arith.constant 224 : index
    %get3A_301 = tpu.vector_load %arg5[%get3A_300] {strides = array<i32>} : memref<512xi32, #tpu.memory_space<vmem>>, vector<16xi32>,
    %get3A_302 = vector.shape_cast %get3A_301 : vector<16xi32> to vector<16xi32>
    %add3A_303 = arith.constant 224 : i32
    %add3A_304 = arith.addi %mul3A_2, %add3A_303 : i32
    %add3A_305 = vector.broadcast %add3A_304 : i32 to vector<16xi32>
    %add3A_306 = arith.addi %add3A_305, %iota3A : vector<16xi32>
    %shift_right_arithmetic3A_307 = arith.constant 3 : i32
    %shift_right_arithmetic3A_308 = vector.broadcast %shift_right_arithmetic3A_307 : i32 to vector<16xi32>
    %shift_right_arithmetic3A_309 = arith.shrsi %add3A_306, %shift_right_arithmetic3A_308 : vector<16xi32>
    %shift_right_arithmetic3A_310 = arith.constant 1 : i32
    %shift_right_arithmetic3A_311 = vector.broadcast %shift_right_arithmetic3A_310 : i32 to vector<16xi32>
    %shift_right_arithmetic3A_312 = arith.shrsi %get3A_302, %shift_right_arithmetic3A_311 : vector<16xi32>
    %shift_left3A_313 = arith.constant 11 : i32
    %shift_left3A_314 = vector.broadcast %shift_left3A_313 : i32 to vector<16xi32>
    %shift_left3A_315 = arith.shli %shift_right_arithmetic3A_312, %shift_left3A_314 : vector<16xi32>
    %add3A_316 = arith.addi %shift_left3A_315, %shift_right_arithmetic3A_309 : vector<16xi32>
    %swap3A_317 = arith.constant 224 : index
    %swap3A_318 = tpu.vector_load %arg5[%swap3A_317] {strides = array<i32>} : memref<512xi32, #tpu.memory_space<vmem>>, vector<16xi32>,
    %swap3A_319 = vector.shape_cast %swap3A_318 : vector<16xi32> to vector<16xi32>
    %swap3A_320 = vector.shape_cast %add3A_316 : vector<16xi32> to vector<16xi32>
    tpu.vector_store %arg5[%swap3A_317], %swap3A_320 {strides = array<i32>} : memref<512xi32, #tpu.memory_space<vmem>>, vector<16xi32>,
    %get3A_321 = arith.constant 240 : index
    %get3A_322 = tpu.vector_load %arg5[%get3A_321] {strides = array<i32>} : memref<512xi32, #tpu.memory_space<vmem>>, vector<16xi32>,
    %get3A_323 = vector.shape_cast %get3A_322 : vector<16xi32> to vector<16xi32>
    %add3A_324 = arith.constant 240 : i32
    %add3A_325 = arith.addi %mul3A_2, %add3A_324 : i32
    %add3A_326 = vector.broadcast %add3A_325 : i32 to vector<16xi32>
    %add3A_327 = arith.addi %add3A_326, %iota3A : vector<16xi32>
    %shift_right_arithmetic3A_328 = arith.constant 3 : i32
    %shift_right_arithmetic3A_329 = vector.broadcast %shift_right_arithmetic3A_328 : i32 to vector<16xi32>
    %shift_right_arithmetic3A_330 = arith.shrsi %add3A_327, %shift_right_arithmetic3A_329 : vector<16xi32>
    %shift_right_arithmetic3A_331 = arith.constant 1 : i32
    %shift_right_arithmetic3A_332 = vector.broadcast %shift_right_arithmetic3A_331 : i32 to vector<16xi32>
    %shift_right_arithmetic3A_333 = arith.shrsi %get3A_323, %shift_right_arithmetic3A_332 : vector<16xi32>
    %shift_left3A_334 = arith.constant 11 : i32
    %shift_left3A_335 = vector.broadcast %shift_left3A_334 : i32 to vector<16xi32>
    %shift_left3A_336 = arith.shli %shift_right_arithmetic3A_333, %shift_left3A_335 : vector<16xi32>
    %add3A_337 = arith.addi %shift_left3A_336, %shift_right_arithmetic3A_330 : vector<16xi32>
    %swap3A_338 = arith.constant 240 : index
    %swap3A_339 = tpu.vector_load %arg5[%swap3A_338] {strides = array<i32>} : memref<512xi32, #tpu.memory_space<vmem>>, vector<16xi32>,
    %swap3A_340 = vector.shape_cast %swap3A_339 : vector<16xi32> to vector<16xi32>
    %swap3A_341 = vector.shape_cast %add3A_337 : vector<16xi32> to vector<16xi32>
    tpu.vector_store %arg5[%swap3A_338], %swap3A_341 {strides = array<i32>} : memref<512xi32, #tpu.memory_space<vmem>>, vector<16xi32>,
    %dma_start3A_342 = arith.constant 128 : i32
    %dma_start3A_343 = arith.constant 0 : i32
    %dma_start3A_344 = tpu.memref_slice %arg6[%dma_start3A_342, %dma_start3A_343] : memref<512x128xf32, #tpu.memory_space<vmem>> -> memref<128x128xf32, #tpu.memory_space<vmem>>
    %dma_start3A_345 = arith.constant 128 : i32
    %dma_start3A_346 = tpu.memref_slice %arg5[%dma_start3A_345] : memref<512xi32, #tpu.memory_space<vmem>> -> memref<128xi32, #tpu.memory_space<vmem>>
    %dma_start3A_347 = arith.constant 0 : i32
    %dma_start3A_348 = arith.constant 0 : i32
    %dma_start3A_349 = tpu.memref_slice %arg2[%dma_start3A_347, %dma_start3A_348] : memref<65536x128xf32, #tpu.memory_space<hbm>> -> memref<65536x128xf32, #tpu.memory_space<hbm>>
    tpu.enqueue_indirect_dma source(%dma_start3A_349 : memref<65536x128xf32, #tpu.memory_space<hbm>>) target(%dma_start3A_344 : memref<128x128xf32, #tpu.memory_space<vmem>>) offsets(%dma_start3A_346 : memref<128xi32, #tpu.memory_space<vmem>>) semaphore(%arg7 : memref<!tpu.dma_semaphore, #tpu.memory_space<semaphore_mem>>)
    %get3A_350 = arith.constant 256 : index
    %get3A_351 = tpu.vector_load %arg5[%get3A_350] {strides = array<i32>} : memref<512xi32, #tpu.memory_space<vmem>>, vector<16xi32>,
    %get3A_352 = vector.shape_cast %get3A_351 : vector<16xi32> to vector<16xi32>
    %add3A_353 = arith.constant 256 : i32
    %add3A_354 = arith.addi %mul3A_2, %add3A_353 : i32
    %add3A_355 = vector.broadcast %add3A_354 : i32 to vector<16xi32>
    %add3A_356 = arith.addi %add3A_355, %iota3A : vector<16xi32>
    %shift_right_arithmetic3A_357 = arith.constant 3 : i32
    %shift_right_arithmetic3A_358 = vector.broadcast %shift_right_arithmetic3A_357 : i32 to vector<16xi32>
    %shift_right_arithmetic3A_359 = arith.shrsi %add3A_356, %shift_right_arithmetic3A_358 : vector<16xi32>
    %shift_right_arithmetic3A_360 = arith.constant 1 : i32
    %shift_right_arithmetic3A_361 = vector.broadcast %shift_right_arithmetic3A_360 : i32 to vector<16xi32>
    %shift_right_arithmetic3A_362 = arith.shrsi %get3A_352, %shift_right_arithmetic3A_361 : vector<16xi32>
    %shift_left3A_363 = arith.constant 11 : i32
    %shift_left3A_364 = vector.broadcast %shift_left3A_363 : i32 to vector<16xi32>
    %shift_left3A_365 = arith.shli %shift_right_arithmetic3A_362, %shift_left3A_364 : vector<16xi32>
    %add3A_366 = arith.addi %shift_left3A_365, %shift_right_arithmetic3A_359 : vector<16xi32>
    %swap3A_367 = arith.constant 256 : index
    %swap3A_368 = tpu.vector_load %arg5[%swap3A_367] {strides = array<i32>} : memref<512xi32, #tpu.memory_space<vmem>>, vector<16xi32>,
    %swap3A_369 = vector.shape_cast %swap3A_368 : vector<16xi32> to vector<16xi32>
    %swap3A_370 = vector.shape_cast %add3A_366 : vector<16xi32> to vector<16xi32>
    tpu.vector_store %arg5[%swap3A_367], %swap3A_370 {strides = array<i32>} : memref<512xi32, #tpu.memory_space<vmem>>, vector<16xi32>,
    %get3A_371 = arith.constant 272 : index
    %get3A_372 = tpu.vector_load %arg5[%get3A_371] {strides = array<i32>} : memref<512xi32, #tpu.memory_space<vmem>>, vector<16xi32>,
    %get3A_373 = vector.shape_cast %get3A_372 : vector<16xi32> to vector<16xi32>
    %add3A_374 = arith.constant 272 : i32
    %add3A_375 = arith.addi %mul3A_2, %add3A_374 : i32
    %add3A_376 = vector.broadcast %add3A_375 : i32 to vector<16xi32>
    %add3A_377 = arith.addi %add3A_376, %iota3A : vector<16xi32>
    %shift_right_arithmetic3A_378 = arith.constant 3 : i32
    %shift_right_arithmetic3A_379 = vector.broadcast %shift_right_arithmetic3A_378 : i32 to vector<16xi32>
    %shift_right_arithmetic3A_380 = arith.shrsi %add3A_377, %shift_right_arithmetic3A_379 : vector<16xi32>
    %shift_right_arithmetic3A_381 = arith.constant 1 : i32
    %shift_right_arithmetic3A_382 = vector.broadcast %shift_right_arithmetic3A_381 : i32 to vector<16xi32>
    %shift_right_arithmetic3A_383 = arith.shrsi %get3A_373, %shift_right_arithmetic3A_382 : vector<16xi32>
    %shift_left3A_384 = arith.constant 11 : i32
    %shift_left3A_385 = vector.broadcast %shift_left3A_384 : i32 to vector<16xi32>
    %shift_left3A_386 = arith.shli %shift_right_arithmetic3A_383, %shift_left3A_385 : vector<16xi32>
    %add3A_387 = arith.addi %shift_left3A_386, %shift_right_arithmetic3A_380 : vector<16xi32>
    %swap3A_388 = arith.constant 272 : index
    %swap3A_389 = tpu.vector_load %arg5[%swap3A_388] {strides = array<i32>} : memref<512xi32, #tpu.memory_space<vmem>>, vector<16xi32>,
    %swap3A_390 = vector.shape_cast %swap3A_389 : vector<16xi32> to vector<16xi32>
    %swap3A_391 = vector.shape_cast %add3A_387 : vector<16xi32> to vector<16xi32>
    tpu.vector_store %arg5[%swap3A_388], %swap3A_391 {strides = array<i32>} : memref<512xi32, #tpu.memory_space<vmem>>, vector<16xi32>,
    %get3A_392 = arith.constant 288 : index
    %get3A_393 = tpu.vector_load %arg5[%get3A_392] {strides = array<i32>} : memref<512xi32, #tpu.memory_space<vmem>>, vector<16xi32>,
    %get3A_394 = vector.shape_cast %get3A_393 : vector<16xi32> to vector<16xi32>
    %add3A_395 = arith.constant 288 : i32
    %add3A_396 = arith.addi %mul3A_2, %add3A_395 : i32
    %add3A_397 = vector.broadcast %add3A_396 : i32 to vector<16xi32>
    %add3A_398 = arith.addi %add3A_397, %iota3A : vector<16xi32>
    %shift_right_arithmetic3A_399 = arith.constant 3 : i32
    %shift_right_arithmetic3A_400 = vector.broadcast %shift_right_arithmetic3A_399 : i32 to vector<16xi32>
    %shift_right_arithmetic3A_401 = arith.shrsi %add3A_398, %shift_right_arithmetic3A_400 : vector<16xi32>
    %shift_right_arithmetic3A_402 = arith.constant 1 : i32
    %shift_right_arithmetic3A_403 = vector.broadcast %shift_right_arithmetic3A_402 : i32 to vector<16xi32>
    %shift_right_arithmetic3A_404 = arith.shrsi %get3A_394, %shift_right_arithmetic3A_403 : vector<16xi32>
    %shift_left3A_405 = arith.constant 11 : i32
    %shift_left3A_406 = vector.broadcast %shift_left3A_405 : i32 to vector<16xi32>
    %shift_left3A_407 = arith.shli %shift_right_arithmetic3A_404, %shift_left3A_406 : vector<16xi32>
    %add3A_408 = arith.addi %shift_left3A_407, %shift_right_arithmetic3A_401 : vector<16xi32>
    %swap3A_409 = arith.constant 288 : index
    %swap3A_410 = tpu.vector_load %arg5[%swap3A_409] {strides = array<i32>} : memref<512xi32, #tpu.memory_space<vmem>>, vector<16xi32>,
    %swap3A_411 = vector.shape_cast %swap3A_410 : vector<16xi32> to vector<16xi32>
    %swap3A_412 = vector.shape_cast %add3A_408 : vector<16xi32> to vector<16xi32>
    tpu.vector_store %arg5[%swap3A_409], %swap3A_412 {strides = array<i32>} : memref<512xi32, #tpu.memory_space<vmem>>, vector<16xi32>,
    %get3A_413 = arith.constant 304 : index
    %get3A_414 = tpu.vector_load %arg5[%get3A_413] {strides = array<i32>} : memref<512xi32, #tpu.memory_space<vmem>>, vector<16xi32>,
    %get3A_415 = vector.shape_cast %get3A_414 : vector<16xi32> to vector<16xi32>
    %add3A_416 = arith.constant 304 : i32
    %add3A_417 = arith.addi %mul3A_2, %add3A_416 : i32
    %add3A_418 = vector.broadcast %add3A_417 : i32 to vector<16xi32>
    %add3A_419 = arith.addi %add3A_418, %iota3A : vector<16xi32>
    %shift_right_arithmetic3A_420 = arith.constant 3 : i32
    %shift_right_arithmetic3A_421 = vector.broadcast %shift_right_arithmetic3A_420 : i32 to vector<16xi32>
    %shift_right_arithmetic3A_422 = arith.shrsi %add3A_419, %shift_right_arithmetic3A_421 : vector<16xi32>
    %shift_right_arithmetic3A_423 = arith.constant 1 : i32
    %shift_right_arithmetic3A_424 = vector.broadcast %shift_right_arithmetic3A_423 : i32 to vector<16xi32>
    %shift_right_arithmetic3A_425 = arith.shrsi %get3A_415, %shift_right_arithmetic3A_424 : vector<16xi32>
    %shift_left3A_426 = arith.constant 11 : i32
    %shift_left3A_427 = vector.broadcast %shift_left3A_426 : i32 to vector<16xi32>
    %shift_left3A_428 = arith.shli %shift_right_arithmetic3A_425, %shift_left3A_427 : vector<16xi32>
    %add3A_429 = arith.addi %shift_left3A_428, %shift_right_arithmetic3A_422 : vector<16xi32>
    %swap3A_430 = arith.constant 304 : index
    %swap3A_431 = tpu.vector_load %arg5[%swap3A_430] {strides = array<i32>} : memref<512xi32, #tpu.memory_space<vmem>>, vector<16xi32>,
    %swap3A_432 = vector.shape_cast %swap3A_431 : vector<16xi32> to vector<16xi32>
    %swap3A_433 = vector.shape_cast %add3A_429 : vector<16xi32> to vector<16xi32>
    tpu.vector_store %arg5[%swap3A_430], %swap3A_433 {strides = array<i32>} : memref<512xi32, #tpu.memory_space<vmem>>, vector<16xi32>,
    %get3A_434 = arith.constant 320 : index
    %get3A_435 = tpu.vector_load %arg5[%get3A_434] {strides = array<i32>} : memref<512xi32, #tpu.memory_space<vmem>>, vector<16xi32>,
    %get3A_436 = vector.shape_cast %get3A_435 : vector<16xi32> to vector<16xi32>
    %add3A_437 = arith.constant 320 : i32
    %add3A_438 = arith.addi %mul3A_2, %add3A_437 : i32
    %add3A_439 = vector.broadcast %add3A_438 : i32 to vector<16xi32>
    %add3A_440 = arith.addi %add3A_439, %iota3A : vector<16xi32>
    %shift_right_arithmetic3A_441 = arith.constant 3 : i32
    %shift_right_arithmetic3A_442 = vector.broadcast %shift_right_arithmetic3A_441 : i32 to vector<16xi32>
    %shift_right_arithmetic3A_443 = arith.shrsi %add3A_440, %shift_right_arithmetic3A_442 : vector<16xi32>
    %shift_right_arithmetic3A_444 = arith.constant 1 : i32
    %shift_right_arithmetic3A_445 = vector.broadcast %shift_right_arithmetic3A_444 : i32 to vector<16xi32>
    %shift_right_arithmetic3A_446 = arith.shrsi %get3A_436, %shift_right_arithmetic3A_445 : vector<16xi32>
    %shift_left3A_447 = arith.constant 11 : i32
    %shift_left3A_448 = vector.broadcast %shift_left3A_447 : i32 to vector<16xi32>
    %shift_left3A_449 = arith.shli %shift_right_arithmetic3A_446, %shift_left3A_448 : vector<16xi32>
    %add3A_450 = arith.addi %shift_left3A_449, %shift_right_arithmetic3A_443 : vector<16xi32>
    %swap3A_451 = arith.constant 320 : index
    %swap3A_452 = tpu.vector_load %arg5[%swap3A_451] {strides = array<i32>} : memref<512xi32, #tpu.memory_space<vmem>>, vector<16xi32>,
    %swap3A_453 = vector.shape_cast %swap3A_452 : vector<16xi32> to vector<16xi32>
    %swap3A_454 = vector.shape_cast %add3A_450 : vector<16xi32> to vector<16xi32>
    tpu.vector_store %arg5[%swap3A_451], %swap3A_454 {strides = array<i32>} : memref<512xi32, #tpu.memory_space<vmem>>, vector<16xi32>,
    %get3A_455 = arith.constant 336 : index
    %get3A_456 = tpu.vector_load %arg5[%get3A_455] {strides = array<i32>} : memref<512xi32, #tpu.memory_space<vmem>>, vector<16xi32>,
    %get3A_457 = vector.shape_cast %get3A_456 : vector<16xi32> to vector<16xi32>
    %add3A_458 = arith.constant 336 : i32
    %add3A_459 = arith.addi %mul3A_2, %add3A_458 : i32
    %add3A_460 = vector.broadcast %add3A_459 : i32 to vector<16xi32>
    %add3A_461 = arith.addi %add3A_460, %iota3A : vector<16xi32>
    %shift_right_arithmetic3A_462 = arith.constant 3 : i32
    %shift_right_arithmetic3A_463 = vector.broadcast %shift_right_arithmetic3A_462 : i32 to vector<16xi32>
    %shift_right_arithmetic3A_464 = arith.shrsi %add3A_461, %shift_right_arithmetic3A_463 : vector<16xi32>
    %shift_right_arithmetic3A_465 = arith.constant 1 : i32
    %shift_right_arithmetic3A_466 = vector.broadcast %shift_right_arithmetic3A_465 : i32 to vector<16xi32>
    %shift_right_arithmetic3A_467 = arith.shrsi %get3A_457, %shift_right_arithmetic3A_466 : vector<16xi32>
    %shift_left3A_468 = arith.constant 11 : i32
    %shift_left3A_469 = vector.broadcast %shift_left3A_468 : i32 to vector<16xi32>
    %shift_left3A_470 = arith.shli %shift_right_arithmetic3A_467, %shift_left3A_469 : vector<16xi32>
    %add3A_471 = arith.addi %shift_left3A_470, %shift_right_arithmetic3A_464 : vector<16xi32>
    %swap3A_472 = arith.constant 336 : index
    %swap3A_473 = tpu.vector_load %arg5[%swap3A_472] {strides = array<i32>} : memref<512xi32, #tpu.memory_space<vmem>>, vector<16xi32>,
    %swap3A_474 = vector.shape_cast %swap3A_473 : vector<16xi32> to vector<16xi32>
    %swap3A_475 = vector.shape_cast %add3A_471 : vector<16xi32> to vector<16xi32>
    tpu.vector_store %arg5[%swap3A_472], %swap3A_475 {strides = array<i32>} : memref<512xi32, #tpu.memory_space<vmem>>, vector<16xi32>,
    %get3A_476 = arith.constant 352 : index
    %get3A_477 = tpu.vector_load %arg5[%get3A_476] {strides = array<i32>} : memref<512xi32, #tpu.memory_space<vmem>>, vector<16xi32>,
    %get3A_478 = vector.shape_cast %get3A_477 : vector<16xi32> to vector<16xi32>
    %add3A_479 = arith.constant 352 : i32
    %add3A_480 = arith.addi %mul3A_2, %add3A_479 : i32
    %add3A_481 = vector.broadcast %add3A_480 : i32 to vector<16xi32>
    %add3A_482 = arith.addi %add3A_481, %iota3A : vector<16xi32>
    %shift_right_arithmetic3A_483 = arith.constant 3 : i32
    %shift_right_arithmetic3A_484 = vector.broadcast %shift_right_arithmetic3A_483 : i32 to vector<16xi32>
    %shift_right_arithmetic3A_485 = arith.shrsi %add3A_482, %shift_right_arithmetic3A_484 : vector<16xi32>
    %shift_right_arithmetic3A_486 = arith.constant 1 : i32
    %shift_right_arithmetic3A_487 = vector.broadcast %shift_right_arithmetic3A_486 : i32 to vector<16xi32>
    %shift_right_arithmetic3A_488 = arith.shrsi %get3A_478, %shift_right_arithmetic3A_487 : vector<16xi32>
    %shift_left3A_489 = arith.constant 11 : i32
    %shift_left3A_490 = vector.broadcast %shift_left3A_489 : i32 to vector<16xi32>
    %shift_left3A_491 = arith.shli %shift_right_arithmetic3A_488, %shift_left3A_490 : vector<16xi32>
    %add3A_492 = arith.addi %shift_left3A_491, %shift_right_arithmetic3A_485 : vector<16xi32>
    %swap3A_493 = arith.constant 352 : index
    %swap3A_494 = tpu.vector_load %arg5[%swap3A_493] {strides = array<i32>} : memref<512xi32, #tpu.memory_space<vmem>>, vector<16xi32>,
    %swap3A_495 = vector.shape_cast %swap3A_494 : vector<16xi32> to vector<16xi32>
    %swap3A_496 = vector.shape_cast %add3A_492 : vector<16xi32> to vector<16xi32>
    tpu.vector_store %arg5[%swap3A_493], %swap3A_496 {strides = array<i32>} : memref<512xi32, #tpu.memory_space<vmem>>, vector<16xi32>,
    %get3A_497 = arith.constant 368 : index
    %get3A_498 = tpu.vector_load %arg5[%get3A_497] {strides = array<i32>} : memref<512xi32, #tpu.memory_space<vmem>>, vector<16xi32>,
    %get3A_499 = vector.shape_cast %get3A_498 : vector<16xi32> to vector<16xi32>
    %add3A_500 = arith.constant 368 : i32
    %add3A_501 = arith.addi %mul3A_2, %add3A_500 : i32
    %add3A_502 = vector.broadcast %add3A_501 : i32 to vector<16xi32>
    %add3A_503 = arith.addi %add3A_502, %iota3A : vector<16xi32>
    %shift_right_arithmetic3A_504 = arith.constant 3 : i32
    %shift_right_arithmetic3A_505 = vector.broadcast %shift_right_arithmetic3A_504 : i32 to vector<16xi32>
    %shift_right_arithmetic3A_506 = arith.shrsi %add3A_503, %shift_right_arithmetic3A_505 : vector<16xi32>
    %shift_right_arithmetic3A_507 = arith.constant 1 : i32
    %shift_right_arithmetic3A_508 = vector.broadcast %shift_right_arithmetic3A_507 : i32 to vector<16xi32>
    %shift_right_arithmetic3A_509 = arith.shrsi %get3A_499, %shift_right_arithmetic3A_508 : vector<16xi32>
    %shift_left3A_510 = arith.constant 11 : i32
    %shift_left3A_511 = vector.broadcast %shift_left3A_510 : i32 to vector<16xi32>
    %shift_left3A_512 = arith.shli %shift_right_arithmetic3A_509, %shift_left3A_511 : vector<16xi32>
    %add3A_513 = arith.addi %shift_left3A_512, %shift_right_arithmetic3A_506 : vector<16xi32>
    %swap3A_514 = arith.constant 368 : index
    %swap3A_515 = tpu.vector_load %arg5[%swap3A_514] {strides = array<i32>} : memref<512xi32, #tpu.memory_space<vmem>>, vector<16xi32>,
    %swap3A_516 = vector.shape_cast %swap3A_515 : vector<16xi32> to vector<16xi32>
    %swap3A_517 = vector.shape_cast %add3A_513 : vector<16xi32> to vector<16xi32>
    tpu.vector_store %arg5[%swap3A_514], %swap3A_517 {strides = array<i32>} : memref<512xi32, #tpu.memory_space<vmem>>, vector<16xi32>,
    %dma_start3A_518 = arith.constant 256 : i32
    %dma_start3A_519 = arith.constant 0 : i32
    %dma_start3A_520 = tpu.memref_slice %arg6[%dma_start3A_518, %dma_start3A_519] : memref<512x128xf32, #tpu.memory_space<vmem>> -> memref<128x128xf32, #tpu.memory_space<vmem>>
    %dma_start3A_521 = arith.constant 256 : i32
    %dma_start3A_522 = tpu.memref_slice %arg5[%dma_start3A_521] : memref<512xi32, #tpu.memory_space<vmem>> -> memref<128xi32, #tpu.memory_space<vmem>>
    %dma_start3A_523 = arith.constant 0 : i32
    %dma_start3A_524 = arith.constant 0 : i32
    %dma_start3A_525 = tpu.memref_slice %arg2[%dma_start3A_523, %dma_start3A_524] : memref<65536x128xf32, #tpu.memory_space<hbm>> -> memref<65536x128xf32, #tpu.memory_space<hbm>>
    tpu.enqueue_indirect_dma source(%dma_start3A_525 : memref<65536x128xf32, #tpu.memory_space<hbm>>) target(%dma_start3A_520 : memref<128x128xf32, #tpu.memory_space<vmem>>) offsets(%dma_start3A_522 : memref<128xi32, #tpu.memory_space<vmem>>) semaphore(%arg7 : memref<!tpu.dma_semaphore, #tpu.memory_space<semaphore_mem>>)
    %get3A_526 = arith.constant 384 : index
    %get3A_527 = tpu.vector_load %arg5[%get3A_526] {strides = array<i32>} : memref<512xi32, #tpu.memory_space<vmem>>, vector<16xi32>,
    %get3A_528 = vector.shape_cast %get3A_527 : vector<16xi32> to vector<16xi32>
    %add3A_529 = arith.constant 384 : i32
    %add3A_530 = arith.addi %mul3A_2, %add3A_529 : i32
    %add3A_531 = vector.broadcast %add3A_530 : i32 to vector<16xi32>
    %add3A_532 = arith.addi %add3A_531, %iota3A : vector<16xi32>
    %shift_right_arithmetic3A_533 = arith.constant 3 : i32
    %shift_right_arithmetic3A_534 = vector.broadcast %shift_right_arithmetic3A_533 : i32 to vector<16xi32>
    %shift_right_arithmetic3A_535 = arith.shrsi %add3A_532, %shift_right_arithmetic3A_534 : vector<16xi32>
    %shift_right_arithmetic3A_536 = arith.constant 1 : i32
    %shift_right_arithmetic3A_537 = vector.broadcast %shift_right_arithmetic3A_536 : i32 to vector<16xi32>
    %shift_right_arithmetic3A_538 = arith.shrsi %get3A_528, %shift_right_arithmetic3A_537 : vector<16xi32>
    %shift_left3A_539 = arith.constant 11 : i32
    %shift_left3A_540 = vector.broadcast %shift_left3A_539 : i32 to vector<16xi32>
    %shift_left3A_541 = arith.shli %shift_right_arithmetic3A_538, %shift_left3A_540 : vector<16xi32>
    %add3A_542 = arith.addi %shift_left3A_541, %shift_right_arithmetic3A_535 : vector<16xi32>
    %swap3A_543 = arith.constant 384 : index
    %swap3A_544 = tpu.vector_load %arg5[%swap3A_543] {strides = array<i32>} : memref<512xi32, #tpu.memory_space<vmem>>, vector<16xi32>,
    %swap3A_545 = vector.shape_cast %swap3A_544 : vector<16xi32> to vector<16xi32>
    %swap3A_546 = vector.shape_cast %add3A_542 : vector<16xi32> to vector<16xi32>
    tpu.vector_store %arg5[%swap3A_543], %swap3A_546 {strides = array<i32>} : memref<512xi32, #tpu.memory_space<vmem>>, vector<16xi32>,
    %get3A_547 = arith.constant 400 : index
    %get3A_548 = tpu.vector_load %arg5[%get3A_547] {strides = array<i32>} : memref<512xi32, #tpu.memory_space<vmem>>, vector<16xi32>,
    %get3A_549 = vector.shape_cast %get3A_548 : vector<16xi32> to vector<16xi32>
    %add3A_550 = arith.constant 400 : i32
    %add3A_551 = arith.addi %mul3A_2, %add3A_550 : i32
    %add3A_552 = vector.broadcast %add3A_551 : i32 to vector<16xi32>
    %add3A_553 = arith.addi %add3A_552, %iota3A : vector<16xi32>
    %shift_right_arithmetic3A_554 = arith.constant 3 : i32
    %shift_right_arithmetic3A_555 = vector.broadcast %shift_right_arithmetic3A_554 : i32 to vector<16xi32>
    %shift_right_arithmetic3A_556 = arith.shrsi %add3A_553, %shift_right_arithmetic3A_555 : vector<16xi32>
    %shift_right_arithmetic3A_557 = arith.constant 1 : i32
    %shift_right_arithmetic3A_558 = vector.broadcast %shift_right_arithmetic3A_557 : i32 to vector<16xi32>
    %shift_right_arithmetic3A_559 = arith.shrsi %get3A_549, %shift_right_arithmetic3A_558 : vector<16xi32>
    %shift_left3A_560 = arith.constant 11 : i32
    %shift_left3A_561 = vector.broadcast %shift_left3A_560 : i32 to vector<16xi32>
    %shift_left3A_562 = arith.shli %shift_right_arithmetic3A_559, %shift_left3A_561 : vector<16xi32>
    %add3A_563 = arith.addi %shift_left3A_562, %shift_right_arithmetic3A_556 : vector<16xi32>
    %swap3A_564 = arith.constant 400 : index
    %swap3A_565 = tpu.vector_load %arg5[%swap3A_564] {strides = array<i32>} : memref<512xi32, #tpu.memory_space<vmem>>, vector<16xi32>,
    %swap3A_566 = vector.shape_cast %swap3A_565 : vector<16xi32> to vector<16xi32>
    %swap3A_567 = vector.shape_cast %add3A_563 : vector<16xi32> to vector<16xi32>
    tpu.vector_store %arg5[%swap3A_564], %swap3A_567 {strides = array<i32>} : memref<512xi32, #tpu.memory_space<vmem>>, vector<16xi32>,
    %get3A_568 = arith.constant 416 : index
    %get3A_569 = tpu.vector_load %arg5[%get3A_568] {strides = array<i32>} : memref<512xi32, #tpu.memory_space<vmem>>, vector<16xi32>,
    %get3A_570 = vector.shape_cast %get3A_569 : vector<16xi32> to vector<16xi32>
    %add3A_571 = arith.constant 416 : i32
    %add3A_572 = arith.addi %mul3A_2, %add3A_571 : i32
    %add3A_573 = vector.broadcast %add3A_572 : i32 to vector<16xi32>
    %add3A_574 = arith.addi %add3A_573, %iota3A : vector<16xi32>
    %shift_right_arithmetic3A_575 = arith.constant 3 : i32
    %shift_right_arithmetic3A_576 = vector.broadcast %shift_right_arithmetic3A_575 : i32 to vector<16xi32>
    %shift_right_arithmetic3A_577 = arith.shrsi %add3A_574, %shift_right_arithmetic3A_576 : vector<16xi32>
    %shift_right_arithmetic3A_578 = arith.constant 1 : i32
    %shift_right_arithmetic3A_579 = vector.broadcast %shift_right_arithmetic3A_578 : i32 to vector<16xi32>
    %shift_right_arithmetic3A_580 = arith.shrsi %get3A_570, %shift_right_arithmetic3A_579 : vector<16xi32>
    %shift_left3A_581 = arith.constant 11 : i32
    %shift_left3A_582 = vector.broadcast %shift_left3A_581 : i32 to vector<16xi32>
    %shift_left3A_583 = arith.shli %shift_right_arithmetic3A_580, %shift_left3A_582 : vector<16xi32>
    %add3A_584 = arith.addi %shift_left3A_583, %shift_right_arithmetic3A_577 : vector<16xi32>
    %swap3A_585 = arith.constant 416 : index
    %swap3A_586 = tpu.vector_load %arg5[%swap3A_585] {strides = array<i32>} : memref<512xi32, #tpu.memory_space<vmem>>, vector<16xi32>,
    %swap3A_587 = vector.shape_cast %swap3A_586 : vector<16xi32> to vector<16xi32>
    %swap3A_588 = vector.shape_cast %add3A_584 : vector<16xi32> to vector<16xi32>
    tpu.vector_store %arg5[%swap3A_585], %swap3A_588 {strides = array<i32>} : memref<512xi32, #tpu.memory_space<vmem>>, vector<16xi32>,
    %get3A_589 = arith.constant 432 : index
    %get3A_590 = tpu.vector_load %arg5[%get3A_589] {strides = array<i32>} : memref<512xi32, #tpu.memory_space<vmem>>, vector<16xi32>,
    %get3A_591 = vector.shape_cast %get3A_590 : vector<16xi32> to vector<16xi32>
    %add3A_592 = arith.constant 432 : i32
    %add3A_593 = arith.addi %mul3A_2, %add3A_592 : i32
    %add3A_594 = vector.broadcast %add3A_593 : i32 to vector<16xi32>
    %add3A_595 = arith.addi %add3A_594, %iota3A : vector<16xi32>
    %shift_right_arithmetic3A_596 = arith.constant 3 : i32
    %shift_right_arithmetic3A_597 = vector.broadcast %shift_right_arithmetic3A_596 : i32 to vector<16xi32>
    %shift_right_arithmetic3A_598 = arith.shrsi %add3A_595, %shift_right_arithmetic3A_597 : vector<16xi32>
    %shift_right_arithmetic3A_599 = arith.constant 1 : i32
    %shift_right_arithmetic3A_600 = vector.broadcast %shift_right_arithmetic3A_599 : i32 to vector<16xi32>
    %shift_right_arithmetic3A_601 = arith.shrsi %get3A_591, %shift_right_arithmetic3A_600 : vector<16xi32>
    %shift_left3A_602 = arith.constant 11 : i32
    %shift_left3A_603 = vector.broadcast %shift_left3A_602 : i32 to vector<16xi32>
    %shift_left3A_604 = arith.shli %shift_right_arithmetic3A_601, %shift_left3A_603 : vector<16xi32>
    %add3A_605 = arith.addi %shift_left3A_604, %shift_right_arithmetic3A_598 : vector<16xi32>
    %swap3A_606 = arith.constant 432 : index
    %swap3A_607 = tpu.vector_load %arg5[%swap3A_606] {strides = array<i32>} : memref<512xi32, #tpu.memory_space<vmem>>, vector<16xi32>,
    %swap3A_608 = vector.shape_cast %swap3A_607 : vector<16xi32> to vector<16xi32>
    %swap3A_609 = vector.shape_cast %add3A_605 : vector<16xi32> to vector<16xi32>
    tpu.vector_store %arg5[%swap3A_606], %swap3A_609 {strides = array<i32>} : memref<512xi32, #tpu.memory_space<vmem>>, vector<16xi32>,
    %get3A_610 = arith.constant 448 : index
    %get3A_611 = tpu.vector_load %arg5[%get3A_610] {strides = array<i32>} : memref<512xi32, #tpu.memory_space<vmem>>, vector<16xi32>,
    %get3A_612 = vector.shape_cast %get3A_611 : vector<16xi32> to vector<16xi32>
    %add3A_613 = arith.constant 448 : i32
    %add3A_614 = arith.addi %mul3A_2, %add3A_613 : i32
    %add3A_615 = vector.broadcast %add3A_614 : i32 to vector<16xi32>
    %add3A_616 = arith.addi %add3A_615, %iota3A : vector<16xi32>
    %shift_right_arithmetic3A_617 = arith.constant 3 : i32
    %shift_right_arithmetic3A_618 = vector.broadcast %shift_right_arithmetic3A_617 : i32 to vector<16xi32>
    %shift_right_arithmetic3A_619 = arith.shrsi %add3A_616, %shift_right_arithmetic3A_618 : vector<16xi32>
    %shift_right_arithmetic3A_620 = arith.constant 1 : i32
    %shift_right_arithmetic3A_621 = vector.broadcast %shift_right_arithmetic3A_620 : i32 to vector<16xi32>
    %shift_right_arithmetic3A_622 = arith.shrsi %get3A_612, %shift_right_arithmetic3A_621 : vector<16xi32>
    %shift_left3A_623 = arith.constant 11 : i32
    %shift_left3A_624 = vector.broadcast %shift_left3A_623 : i32 to vector<16xi32>
    %shift_left3A_625 = arith.shli %shift_right_arithmetic3A_622, %shift_left3A_624 : vector<16xi32>
    %add3A_626 = arith.addi %shift_left3A_625, %shift_right_arithmetic3A_619 : vector<16xi32>
    %swap3A_627 = arith.constant 448 : index
    %swap3A_628 = tpu.vector_load %arg5[%swap3A_627] {strides = array<i32>} : memref<512xi32, #tpu.memory_space<vmem>>, vector<16xi32>,
    %swap3A_629 = vector.shape_cast %swap3A_628 : vector<16xi32> to vector<16xi32>
    %swap3A_630 = vector.shape_cast %add3A_626 : vector<16xi32> to vector<16xi32>
    tpu.vector_store %arg5[%swap3A_627], %swap3A_630 {strides = array<i32>} : memref<512xi32, #tpu.memory_space<vmem>>, vector<16xi32>,
    %get3A_631 = arith.constant 464 : index
    %get3A_632 = tpu.vector_load %arg5[%get3A_631] {strides = array<i32>} : memref<512xi32, #tpu.memory_space<vmem>>, vector<16xi32>,
    %get3A_633 = vector.shape_cast %get3A_632 : vector<16xi32> to vector<16xi32>
    %add3A_634 = arith.constant 464 : i32
    %add3A_635 = arith.addi %mul3A_2, %add3A_634 : i32
    %add3A_636 = vector.broadcast %add3A_635 : i32 to vector<16xi32>
    %add3A_637 = arith.addi %add3A_636, %iota3A : vector<16xi32>
    %shift_right_arithmetic3A_638 = arith.constant 3 : i32
    %shift_right_arithmetic3A_639 = vector.broadcast %shift_right_arithmetic3A_638 : i32 to vector<16xi32>
    %shift_right_arithmetic3A_640 = arith.shrsi %add3A_637, %shift_right_arithmetic3A_639 : vector<16xi32>
    %shift_right_arithmetic3A_641 = arith.constant 1 : i32
    %shift_right_arithmetic3A_642 = vector.broadcast %shift_right_arithmetic3A_641 : i32 to vector<16xi32>
    %shift_right_arithmetic3A_643 = arith.shrsi %get3A_633, %shift_right_arithmetic3A_642 : vector<16xi32>
    %shift_left3A_644 = arith.constant 11 : i32
    %shift_left3A_645 = vector.broadcast %shift_left3A_644 : i32 to vector<16xi32>
    %shift_left3A_646 = arith.shli %shift_right_arithmetic3A_643, %shift_left3A_645 : vector<16xi32>
    %add3A_647 = arith.addi %shift_left3A_646, %shift_right_arithmetic3A_640 : vector<16xi32>
    %swap3A_648 = arith.constant 464 : index
    %swap3A_649 = tpu.vector_load %arg5[%swap3A_648] {strides = array<i32>} : memref<512xi32, #tpu.memory_space<vmem>>, vector<16xi32>,
    %swap3A_650 = vector.shape_cast %swap3A_649 : vector<16xi32> to vector<16xi32>
    %swap3A_651 = vector.shape_cast %add3A_647 : vector<16xi32> to vector<16xi32>
    tpu.vector_store %arg5[%swap3A_648], %swap3A_651 {strides = array<i32>} : memref<512xi32, #tpu.memory_space<vmem>>, vector<16xi32>,
    %get3A_652 = arith.constant 480 : index
    %get3A_653 = tpu.vector_load %arg5[%get3A_652] {strides = array<i32>} : memref<512xi32, #tpu.memory_space<vmem>>, vector<16xi32>,
    %get3A_654 = vector.shape_cast %get3A_653 : vector<16xi32> to vector<16xi32>
    %add3A_655 = arith.constant 480 : i32
    %add3A_656 = arith.addi %mul3A_2, %add3A_655 : i32
    %add3A_657 = vector.broadcast %add3A_656 : i32 to vector<16xi32>
    %add3A_658 = arith.addi %add3A_657, %iota3A : vector<16xi32>
    %shift_right_arithmetic3A_659 = arith.constant 3 : i32
    %shift_right_arithmetic3A_660 = vector.broadcast %shift_right_arithmetic3A_659 : i32 to vector<16xi32>
    %shift_right_arithmetic3A_661 = arith.shrsi %add3A_658, %shift_right_arithmetic3A_660 : vector<16xi32>
    %shift_right_arithmetic3A_662 = arith.constant 1 : i32
    %shift_right_arithmetic3A_663 = vector.broadcast %shift_right_arithmetic3A_662 : i32 to vector<16xi32>
    %shift_right_arithmetic3A_664 = arith.shrsi %get3A_654, %shift_right_arithmetic3A_663 : vector<16xi32>
    %shift_left3A_665 = arith.constant 11 : i32
    %shift_left3A_666 = vector.broadcast %shift_left3A_665 : i32 to vector<16xi32>
    %shift_left3A_667 = arith.shli %shift_right_arithmetic3A_664, %shift_left3A_666 : vector<16xi32>
    %add3A_668 = arith.addi %shift_left3A_667, %shift_right_arithmetic3A_661 : vector<16xi32>
    %swap3A_669 = arith.constant 480 : index
    %swap3A_670 = tpu.vector_load %arg5[%swap3A_669] {strides = array<i32>} : memref<512xi32, #tpu.memory_space<vmem>>, vector<16xi32>,
    %swap3A_671 = vector.shape_cast %swap3A_670 : vector<16xi32> to vector<16xi32>
    %swap3A_672 = vector.shape_cast %add3A_668 : vector<16xi32> to vector<16xi32>
    tpu.vector_store %arg5[%swap3A_669], %swap3A_672 {strides = array<i32>} : memref<512xi32, #tpu.memory_space<vmem>>, vector<16xi32>,
    %get3A_673 = arith.constant 496 : index
    %get3A_674 = tpu.vector_load %arg5[%get3A_673] {strides = array<i32>} : memref<512xi32, #tpu.memory_space<vmem>>, vector<16xi32>,
    %get3A_675 = vector.shape_cast %get3A_674 : vector<16xi32> to vector<16xi32>
    %add3A_676 = arith.constant 496 : i32
    %add3A_677 = arith.addi %mul3A_2, %add3A_676 : i32
    %add3A_678 = vector.broadcast %add3A_677 : i32 to vector<16xi32>
    %add3A_679 = arith.addi %add3A_678, %iota3A : vector<16xi32>
    %shift_right_arithmetic3A_680 = arith.constant 3 : i32
    %shift_right_arithmetic3A_681 = vector.broadcast %shift_right_arithmetic3A_680 : i32 to vector<16xi32>
    %shift_right_arithmetic3A_682 = arith.shrsi %add3A_679, %shift_right_arithmetic3A_681 : vector<16xi32>
    %shift_right_arithmetic3A_683 = arith.constant 1 : i32
    %shift_right_arithmetic3A_684 = vector.broadcast %shift_right_arithmetic3A_683 : i32 to vector<16xi32>
    %shift_right_arithmetic3A_685 = arith.shrsi %get3A_675, %shift_right_arithmetic3A_684 : vector<16xi32>
    %shift_left3A_686 = arith.constant 11 : i32
    %shift_left3A_687 = vector.broadcast %shift_left3A_686 : i32 to vector<16xi32>
    %shift_left3A_688 = arith.shli %shift_right_arithmetic3A_685, %shift_left3A_687 : vector<16xi32>
    %add3A_689 = arith.addi %shift_left3A_688, %shift_right_arithmetic3A_682 : vector<16xi32>
    %swap3A_690 = arith.constant 496 : index
    %swap3A_691 = tpu.vector_load %arg5[%swap3A_690] {strides = array<i32>} : memref<512xi32, #tpu.memory_space<vmem>>, vector<16xi32>,
    %swap3A_692 = vector.shape_cast %swap3A_691 : vector<16xi32> to vector<16xi32>
    %swap3A_693 = vector.shape_cast %add3A_689 : vector<16xi32> to vector<16xi32>
    tpu.vector_store %arg5[%swap3A_690], %swap3A_693 {strides = array<i32>} : memref<512xi32, #tpu.memory_space<vmem>>, vector<16xi32>,
    %dma_start3A_694 = arith.constant 384 : i32
    %dma_start3A_695 = arith.constant 0 : i32
    %dma_start3A_696 = tpu.memref_slice %arg6[%dma_start3A_694, %dma_start3A_695] : memref<512x128xf32, #tpu.memory_space<vmem>> -> memref<128x128xf32, #tpu.memory_space<vmem>>
    %dma_start3A_697 = arith.constant 384 : i32
    %dma_start3A_698 = tpu.memref_slice %arg5[%dma_start3A_697] : memref<512xi32, #tpu.memory_space<vmem>> -> memref<128xi32, #tpu.memory_space<vmem>>
    %dma_start3A_699 = arith.constant 0 : i32
    %dma_start3A_700 = arith.constant 0 : i32
    %dma_start3A_701 = tpu.memref_slice %arg2[%dma_start3A_699, %dma_start3A_700] : memref<65536x128xf32, #tpu.memory_space<hbm>> -> memref<65536x128xf32, #tpu.memory_space<hbm>>
    tpu.enqueue_indirect_dma source(%dma_start3A_701 : memref<65536x128xf32, #tpu.memory_space<hbm>>) target(%dma_start3A_696 : memref<128x128xf32, #tpu.memory_space<vmem>>) offsets(%dma_start3A_698 : memref<128xi32, #tpu.memory_space<vmem>>) semaphore(%arg7 : memref<!tpu.dma_semaphore, #tpu.memory_space<semaphore_mem>>)
    %dma_wait3A = arith.constant 0 : i32
    %dma_wait3A_702 = arith.constant 0 : i32
    %dma_wait3A_703 = tpu.memref_slice %arg6[%dma_wait3A, %dma_wait3A_702] : memref<512x128xf32, #tpu.memory_space<vmem>> -> memref<128x128xf32, #tpu.memory_space<vmem>>
    %dma_wait3A_704 = arith.constant 0 : i32
    %dma_wait3A_705 = tpu.memref_slice %arg5[%dma_wait3A_704] : memref<512xi32, #tpu.memory_space<vmem>> -> memref<128xi32, #tpu.memory_space<vmem>>
    %dma_wait3A_706 = arith.constant 0 : i32
    %dma_wait3A_707 = arith.constant 0 : i32
    %dma_wait3A_708 = tpu.memref_slice %arg2[%dma_wait3A_706, %dma_wait3A_707] : memref<65536x128xf32, #tpu.memory_space<hbm>> -> memref<65536x128xf32, #tpu.memory_space<hbm>>
    tpu.wait_indirect_dma semaphore(%arg7 : memref<!tpu.dma_semaphore, #tpu.memory_space<semaphore_mem>>) src(%dma_wait3A_708 : memref<65536x128xf32, #tpu.memory_space<hbm>>) dst(%dma_wait3A_703 : memref<128x128xf32, #tpu.memory_space<vmem>>)
    %add3A_709 = arith.constant 0 : i32
    %add3A_710 = arith.addi %mul3A_2, %add3A_709 : i32
    %dma_start3A_711 = arith.constant 0 : i32
    %dma_start3A_712 = arith.constant 0 : i32
    %dma_start3A_713 = tpu.memref_slice %arg6[%dma_start3A_711, %dma_start3A_712] : memref<512x128xf32, #tpu.memory_space<vmem>> -> memref<128x128xf32, #tpu.memory_space<vmem>>
    %dma_start3A_714 = arith.constant 0 : i32
    %dma_start3A_715 = tpu.memref_slice %arg4[%add3A_710, %dma_start3A_714] : memref<16384x128xf32, #tpu.memory_space<hbm>> -> memref<128x128xf32, #tpu.memory_space<hbm>>
    %dma_start3A_716 = arith.constant 0 : i32
    %dma_start3A_717 = tpu.memref_slice %arg4[%add3A_710, %dma_start3A_716] : memref<16384x128xf32, #tpu.memory_space<hbm>> -> memref<128x128xf32, #tpu.memory_space<hbm>>
    %dma_start3A_718 = arith.constant 0 : i32
    %dma_start3A_719 = arith.constant 0 : i32
    %dma_start3A_720 = tpu.memref_slice %arg6[%dma_start3A_718, %dma_start3A_719] : memref<512x128xf32, #tpu.memory_space<vmem>> -> memref<128x128xf32, #tpu.memory_space<vmem>>
    tpu.enqueue_dma source(%dma_start3A_720 : memref<128x128xf32, #tpu.memory_space<vmem>>) target(%dma_start3A_717 : memref<128x128xf32, #tpu.memory_space<hbm>>) target_semaphore(%arg8 : memref<!tpu.dma_semaphore, #tpu.memory_space<semaphore_mem>>)
    %dma_wait3A_721 = arith.constant 128 : i32
    %dma_wait3A_722 = arith.constant 0 : i32
    %dma_wait3A_723 = tpu.memref_slice %arg6[%dma_wait3A_721, %dma_wait3A_722] : memref<512x128xf32, #tpu.memory_space<vmem>> -> memref<128x128xf32, #tpu.memory_space<vmem>>
    %dma_wait3A_724 = arith.constant 128 : i32
    %dma_wait3A_725 = tpu.memref_slice %arg5[%dma_wait3A_724] : memref<512xi32, #tpu.memory_space<vmem>> -> memref<128xi32, #tpu.memory_space<vmem>>
    %dma_wait3A_726 = arith.constant 0 : i32
    %dma_wait3A_727 = arith.constant 0 : i32
    %dma_wait3A_728 = tpu.memref_slice %arg2[%dma_wait3A_726, %dma_wait3A_727] : memref<65536x128xf32, #tpu.memory_space<hbm>> -> memref<65536x128xf32, #tpu.memory_space<hbm>>
    tpu.wait_indirect_dma semaphore(%arg7 : memref<!tpu.dma_semaphore, #tpu.memory_space<semaphore_mem>>) src(%dma_wait3A_728 : memref<65536x128xf32, #tpu.memory_space<hbm>>) dst(%dma_wait3A_723 : memref<128x128xf32, #tpu.memory_space<vmem>>)
    %add3A_729 = arith.constant 128 : i32
    %add3A_730 = arith.addi %mul3A_2, %add3A_729 : i32
    %dma_start3A_731 = arith.constant 128 : i32
    %dma_start3A_732 = arith.constant 0 : i32
    %dma_start3A_733 = tpu.memref_slice %arg6[%dma_start3A_731, %dma_start3A_732] : memref<512x128xf32, #tpu.memory_space<vmem>> -> memref<128x128xf32, #tpu.memory_space<vmem>>
    %dma_start3A_734 = arith.constant 0 : i32
    %dma_start3A_735 = tpu.memref_slice %arg4[%add3A_730, %dma_start3A_734] : memref<16384x128xf32, #tpu.memory_space<hbm>> -> memref<128x128xf32, #tpu.memory_space<hbm>>
    %dma_start3A_736 = arith.constant 0 : i32
    %dma_start3A_737 = tpu.memref_slice %arg4[%add3A_730, %dma_start3A_736] : memref<16384x128xf32, #tpu.memory_space<hbm>> -> memref<128x128xf32, #tpu.memory_space<hbm>>
    %dma_start3A_738 = arith.constant 128 : i32
    %dma_start3A_739 = arith.constant 0 : i32
    %dma_start3A_740 = tpu.memref_slice %arg6[%dma_start3A_738, %dma_start3A_739] : memref<512x128xf32, #tpu.memory_space<vmem>> -> memref<128x128xf32, #tpu.memory_space<vmem>>
    tpu.enqueue_dma source(%dma_start3A_740 : memref<128x128xf32, #tpu.memory_space<vmem>>) target(%dma_start3A_737 : memref<128x128xf32, #tpu.memory_space<hbm>>) target_semaphore(%arg8 : memref<!tpu.dma_semaphore, #tpu.memory_space<semaphore_mem>>)
    %dma_wait3A_741 = arith.constant 256 : i32
    %dma_wait3A_742 = arith.constant 0 : i32
    %dma_wait3A_743 = tpu.memref_slice %arg6[%dma_wait3A_741, %dma_wait3A_742] : memref<512x128xf32, #tpu.memory_space<vmem>> -> memref<128x128xf32, #tpu.memory_space<vmem>>
    %dma_wait3A_744 = arith.constant 256 : i32
    %dma_wait3A_745 = tpu.memref_slice %arg5[%dma_wait3A_744] : memref<512xi32, #tpu.memory_space<vmem>> -> memref<128xi32, #tpu.memory_space<vmem>>
    %dma_wait3A_746 = arith.constant 0 : i32
    %dma_wait3A_747 = arith.constant 0 : i32
    %dma_wait3A_748 = tpu.memref_slice %arg2[%dma_wait3A_746, %dma_wait3A_747] : memref<65536x128xf32, #tpu.memory_space<hbm>> -> memref<65536x128xf32, #tpu.memory_space<hbm>>
    tpu.wait_indirect_dma semaphore(%arg7 : memref<!tpu.dma_semaphore, #tpu.memory_space<semaphore_mem>>) src(%dma_wait3A_748 : memref<65536x128xf32, #tpu.memory_space<hbm>>) dst(%dma_wait3A_743 : memref<128x128xf32, #tpu.memory_space<vmem>>)
    %add3A_749 = arith.constant 256 : i32
    %add3A_750 = arith.addi %mul3A_2, %add3A_749 : i32
    %dma_start3A_751 = arith.constant 256 : i32
    %dma_start3A_752 = arith.constant 0 : i32
    %dma_start3A_753 = tpu.memref_slice %arg6[%dma_start3A_751, %dma_start3A_752] : memref<512x128xf32, #tpu.memory_space<vmem>> -> memref<128x128xf32, #tpu.memory_space<vmem>>
    %dma_start3A_754 = arith.constant 0 : i32
    %dma_start3A_755 = tpu.memref_slice %arg4[%add3A_750, %dma_start3A_754] : memref<16384x128xf32, #tpu.memory_space<hbm>> -> memref<128x128xf32, #tpu.memory_space<hbm>>
    %dma_start3A_756 = arith.constant 0 : i32
    %dma_start3A_757 = tpu.memref_slice %arg4[%add3A_750, %dma_start3A_756] : memref<16384x128xf32, #tpu.memory_space<hbm>> -> memref<128x128xf32, #tpu.memory_space<hbm>>
    %dma_start3A_758 = arith.constant 256 : i32
    %dma_start3A_759 = arith.constant 0 : i32
    %dma_start3A_760 = tpu.memref_slice %arg6[%dma_start3A_758, %dma_start3A_759] : memref<512x128xf32, #tpu.memory_space<vmem>> -> memref<128x128xf32, #tpu.memory_space<vmem>>
    tpu.enqueue_dma source(%dma_start3A_760 : memref<128x128xf32, #tpu.memory_space<vmem>>) target(%dma_start3A_757 : memref<128x128xf32, #tpu.memory_space<hbm>>) target_semaphore(%arg8 : memref<!tpu.dma_semaphore, #tpu.memory_space<semaphore_mem>>)
    %dma_wait3A_761 = arith.constant 384 : i32
    %dma_wait3A_762 = arith.constant 0 : i32
    %dma_wait3A_763 = tpu.memref_slice %arg6[%dma_wait3A_761, %dma_wait3A_762] : memref<512x128xf32, #tpu.memory_space<vmem>> -> memref<128x128xf32, #tpu.memory_space<vmem>>
    %dma_wait3A_764 = arith.constant 384 : i32
    %dma_wait3A_765 = tpu.memref_slice %arg5[%dma_wait3A_764] : memref<512xi32, #tpu.memory_space<vmem>> -> memref<128xi32, #tpu.memory_space<vmem>>
    %dma_wait3A_766 = arith.constant 0 : i32
    %dma_wait3A_767 = arith.constant 0 : i32
    %dma_wait3A_768 = tpu.memref_slice %arg2[%dma_wait3A_766, %dma_wait3A_767] : memref<65536x128xf32, #tpu.memory_space<hbm>> -> memref<65536x128xf32, #tpu.memory_space<hbm>>
    tpu.wait_indirect_dma semaphore(%arg7 : memref<!tpu.dma_semaphore, #tpu.memory_space<semaphore_mem>>) src(%dma_wait3A_768 : memref<65536x128xf32, #tpu.memory_space<hbm>>) dst(%dma_wait3A_763 : memref<128x128xf32, #tpu.memory_space<vmem>>)
    %add3A_769 = arith.constant 384 : i32
    %add3A_770 = arith.addi %mul3A_2, %add3A_769 : i32
    %dma_start3A_771 = arith.constant 384 : i32
    %dma_start3A_772 = arith.constant 0 : i32
    %dma_start3A_773 = tpu.memref_slice %arg6[%dma_start3A_771, %dma_start3A_772] : memref<512x128xf32, #tpu.memory_space<vmem>> -> memref<128x128xf32, #tpu.memory_space<vmem>>
    %dma_start3A_774 = arith.constant 0 : i32
    %dma_start3A_775 = tpu.memref_slice %arg4[%add3A_770, %dma_start3A_774] : memref<16384x128xf32, #tpu.memory_space<hbm>> -> memref<128x128xf32, #tpu.memory_space<hbm>>
    %dma_start3A_776 = arith.constant 0 : i32
    %dma_start3A_777 = tpu.memref_slice %arg4[%add3A_770, %dma_start3A_776] : memref<16384x128xf32, #tpu.memory_space<hbm>> -> memref<128x128xf32, #tpu.memory_space<hbm>>
    %dma_start3A_778 = arith.constant 384 : i32
    %dma_start3A_779 = arith.constant 0 : i32
    %dma_start3A_780 = tpu.memref_slice %arg6[%dma_start3A_778, %dma_start3A_779] : memref<512x128xf32, #tpu.memory_space<vmem>> -> memref<128x128xf32, #tpu.memory_space<vmem>>
    tpu.enqueue_dma source(%dma_start3A_780 : memref<128x128xf32, #tpu.memory_space<vmem>>) target(%dma_start3A_777 : memref<128x128xf32, #tpu.memory_space<hbm>>) target_semaphore(%arg8 : memref<!tpu.dma_semaphore, #tpu.memory_space<semaphore_mem>>)
    %dma_wait3A_781 = arith.constant 0 : i32
    %dma_wait3A_782 = arith.constant 0 : i32
    %dma_wait3A_783 = tpu.memref_slice %arg6[%dma_wait3A_781, %dma_wait3A_782] : memref<512x128xf32, #tpu.memory_space<vmem>> -> memref<128x128xf32, #tpu.memory_space<vmem>>
    %dma_wait3A_784 = arith.constant 0 : i32
    %dma_wait3A_785 = tpu.memref_slice %arg4[%add3A_710, %dma_wait3A_784] : memref<16384x128xf32, #tpu.memory_space<hbm>> -> memref<128x128xf32, #tpu.memory_space<hbm>>
    %dma_wait3A_786 = arith.constant 0 : i32
    %dma_wait3A_787 = tpu.memref_slice %arg4[%add3A_710, %dma_wait3A_786] : memref<16384x128xf32, #tpu.memory_space<hbm>> -> memref<128x128xf32, #tpu.memory_space<hbm>>
    %dma_wait3A_788 = arith.constant 0 : i32
    %dma_wait3A_789 = arith.constant 0 : i32
    %dma_wait3A_790 = tpu.memref_slice %arg6[%dma_wait3A_788, %dma_wait3A_789] : memref<512x128xf32, #tpu.memory_space<vmem>> -> memref<128x128xf32, #tpu.memory_space<vmem>>
    tpu.wait_dma2 semaphore(%arg8 : memref<!tpu.dma_semaphore, #tpu.memory_space<semaphore_mem>>) src(%dma_wait3A_790 : memref<128x128xf32, #tpu.memory_space<vmem>>) dst(%dma_wait3A_787 : memref<128x128xf32, #tpu.memory_space<hbm>>)
    %dma_wait3A_791 = arith.constant 128 : i32
    %dma_wait3A_792 = arith.constant 0 : i32
    %dma_wait3A_793 = tpu.memref_slice %arg6[%dma_wait3A_791, %dma_wait3A_792] : memref<512x128xf32, #tpu.memory_space<vmem>> -> memref<128x128xf32, #tpu.memory_space<vmem>>
    %dma_wait3A_794 = arith.constant 0 : i32
    %dma_wait3A_795 = tpu.memref_slice %arg4[%add3A_730, %dma_wait3A_794] : memref<16384x128xf32, #tpu.memory_space<hbm>> -> memref<128x128xf32, #tpu.memory_space<hbm>>
    %dma_wait3A_796 = arith.constant 0 : i32
    %dma_wait3A_797 = tpu.memref_slice %arg4[%add3A_730, %dma_wait3A_796] : memref<16384x128xf32, #tpu.memory_space<hbm>> -> memref<128x128xf32, #tpu.memory_space<hbm>>
    %dma_wait3A_798 = arith.constant 128 : i32
    %dma_wait3A_799 = arith.constant 0 : i32
    %dma_wait3A_800 = tpu.memref_slice %arg6[%dma_wait3A_798, %dma_wait3A_799] : memref<512x128xf32, #tpu.memory_space<vmem>> -> memref<128x128xf32, #tpu.memory_space<vmem>>
    tpu.wait_dma2 semaphore(%arg8 : memref<!tpu.dma_semaphore, #tpu.memory_space<semaphore_mem>>) src(%dma_wait3A_800 : memref<128x128xf32, #tpu.memory_space<vmem>>) dst(%dma_wait3A_797 : memref<128x128xf32, #tpu.memory_space<hbm>>)
    %dma_wait3A_801 = arith.constant 256 : i32
    %dma_wait3A_802 = arith.constant 0 : i32
    %dma_wait3A_803 = tpu.memref_slice %arg6[%dma_wait3A_801, %dma_wait3A_802] : memref<512x128xf32, #tpu.memory_space<vmem>> -> memref<128x128xf32, #tpu.memory_space<vmem>>
    %dma_wait3A_804 = arith.constant 0 : i32
    %dma_wait3A_805 = tpu.memref_slice %arg4[%add3A_750, %dma_wait3A_804] : memref<16384x128xf32, #tpu.memory_space<hbm>> -> memref<128x128xf32, #tpu.memory_space<hbm>>
    %dma_wait3A_806 = arith.constant 0 : i32
    %dma_wait3A_807 = tpu.memref_slice %arg4[%add3A_750, %dma_wait3A_806] : memref<16384x128xf32, #tpu.memory_space<hbm>> -> memref<128x128xf32, #tpu.memory_space<hbm>>
    %dma_wait3A_808 = arith.constant 256 : i32
    %dma_wait3A_809 = arith.constant 0 : i32
    %dma_wait3A_810 = tpu.memref_slice %arg6[%dma_wait3A_808, %dma_wait3A_809] : memref<512x128xf32, #tpu.memory_space<vmem>> -> memref<128x128xf32, #tpu.memory_space<vmem>>
    tpu.wait_dma2 semaphore(%arg8 : memref<!tpu.dma_semaphore, #tpu.memory_space<semaphore_mem>>) src(%dma_wait3A_810 : memref<128x128xf32, #tpu.memory_space<vmem>>) dst(%dma_wait3A_807 : memref<128x128xf32, #tpu.memory_space<hbm>>)
    %dma_wait3A_811 = arith.constant 384 : i32
    %dma_wait3A_812 = arith.constant 0 : i32
    %dma_wait3A_813 = tpu.memref_slice %arg6[%dma_wait3A_811, %dma_wait3A_812] : memref<512x128xf32, #tpu.memory_space<vmem>> -> memref<128x128xf32, #tpu.memory_space<vmem>>
    %dma_wait3A_814 = arith.constant 0 : i32
    %dma_wait3A_815 = tpu.memref_slice %arg4[%add3A_770, %dma_wait3A_814] : memref<16384x128xf32, #tpu.memory_space<hbm>> -> memref<128x128xf32, #tpu.memory_space<hbm>>
    %dma_wait3A_816 = arith.constant 0 : i32
    %dma_wait3A_817 = tpu.memref_slice %arg4[%add3A_770, %dma_wait3A_816] : memref<16384x128xf32, #tpu.memory_space<hbm>> -> memref<128x128xf32, #tpu.memory_space<hbm>>
    %dma_wait3A_818 = arith.constant 384 : i32
    %dma_wait3A_819 = arith.constant 0 : i32
    %dma_wait3A_820 = tpu.memref_slice %arg6[%dma_wait3A_818, %dma_wait3A_819] : memref<512x128xf32, #tpu.memory_space<vmem>> -> memref<128x128xf32, #tpu.memory_space<vmem>>
    tpu.wait_dma2 semaphore(%arg8 : memref<!tpu.dma_semaphore, #tpu.memory_space<semaphore_mem>>) src(%dma_wait3A_820 : memref<128x128xf32, #tpu.memory_space<vmem>>) dst(%dma_wait3A_817 : memref<128x128xf32, #tpu.memory_space<hbm>>)
    return
  }
}

module attributes {stable_mosaic.version = 14 : i64} {
  func.func @_mm_body(%arg0: i32, %arg1: memref<2048x1024xf32, #tpu.memory_space<vmem>>, %arg2: memref<1024x512xbf16, #tpu.memory_space<vmem>>, %arg3: memref<1x512xf32, #tpu.memory_space<vmem>>, %arg4: memref<4x2048x128xf32, #tpu.memory_space<vmem>>) attributes {dimension_semantics = [#tpu.dimension_semantics<arbitrary>], iteration_bounds = array<i64: 8>, scalar_prefetch = 0 : i64, scratch_operands = 0 : i64, tpu.core_type = #tpu.core_type<tc>, window_params = [{pipeline_mode = #tpu.pipeline_mode<synchronous>, transform_indices = @transform_0, window_bounds = array<i64: 2048, 1024>}, {transform_indices = @transform_1, window_bounds = array<i64: 1024, 512>}, {transform_indices = @transform_2, window_bounds = array<i64: 1, 512>}, {transform_indices = @transform_3, window_bounds = array<i64: 4, 2048, 128>}]} {
    %get3A = arith.constant 0 : index
    %get3A_0 = arith.constant 0 : index
    %get3A_1 = vector.load %arg1[%get3A, %get3A_0] : memref<2048x1024xf32, #tpu.memory_space<vmem>>, vector<2048x1024xf32>
    %convert_element_type3A = arith.truncf %get3A_1 : vector<2048x1024xf32> to vector<2048x1024xbf16>
    %get3A_2 = arith.constant 0 : index
    %get3A_3 = arith.constant 0 : index
    %get3A_4 = vector.load %arg2[%get3A_2, %get3A_3] : memref<1024x512xbf16, #tpu.memory_space<vmem>>, vector<1024x512xbf16>
    %dot_general3A = arith.constant dense<0.000000e+00> : vector<2048x512xf32>
    %dot_general3A_5 = tpu.matmul %convert_element_type3A, %get3A_4, %dot_general3A {dimension_numbers = #tpu.dot_dimension_numbers<[1], [0], [0], [1], [0, 0, 1, 1], [], []>, transpose_lhs_hint = false} : vector<2048x1024xbf16>, vector<1024x512xbf16>, vector<2048x512xf32> -> vector<2048x512xf32>
    %get3A_6 = arith.constant 0 : index
    %get3A_7 = arith.constant 0 : index
    %get3A_8 = vector.load %arg3[%get3A_6, %get3A_7] : memref<1x512xf32, #tpu.memory_space<vmem>>, vector<1x512xf32>
    %add3A = vector.broadcast %get3A_8 : vector<1x512xf32> to vector<2048x512xf32>
    %add3A_9 = arith.addf %dot_general3A_5, %add3A : vector<2048x512xf32>
    %slice3A = vector.extract_strided_slice %add3A_9 {offsets = [0, 0], sizes = [2048, 128], strides = [1, 1]} : vector<2048x512xf32> to vector<2048x128xf32>
    %swap3A = arith.constant 0 : index
    %swap3A_10 = arith.constant 0 : index
    %swap3A_11 = arith.constant 0 : index
    %swap3A_12 = vector.load %arg4[%swap3A, %swap3A_10, %swap3A_11] : memref<4x2048x128xf32, #tpu.memory_space<vmem>>, vector<1x2048x128xf32>
    %swap3A_13 = vector.shape_cast %swap3A_12 : vector<1x2048x128xf32> to vector<2048x128xf32>
    %swap3A_14 = vector.shape_cast %slice3A : vector<2048x128xf32> to vector<1x2048x128xf32>
    tpu.vector_store %arg4[%swap3A, %swap3A_10, %swap3A_11], %swap3A_14 {strides = array<i32>} : memref<4x2048x128xf32, #tpu.memory_space<vmem>>, vector<1x2048x128xf32>,
    %slice3A_15 = vector.extract_strided_slice %add3A_9 {offsets = [0, 128], sizes = [2048, 128], strides = [1, 1]} : vector<2048x512xf32> to vector<2048x128xf32>
    %swap3A_16 = arith.constant 1 : index
    %swap3A_17 = arith.constant 0 : index
    %swap3A_18 = arith.constant 0 : index
    %swap3A_19 = vector.load %arg4[%swap3A_16, %swap3A_17, %swap3A_18] : memref<4x2048x128xf32, #tpu.memory_space<vmem>>, vector<1x2048x128xf32>
    %swap3A_20 = vector.shape_cast %swap3A_19 : vector<1x2048x128xf32> to vector<2048x128xf32>
    %swap3A_21 = vector.shape_cast %slice3A_15 : vector<2048x128xf32> to vector<1x2048x128xf32>
    tpu.vector_store %arg4[%swap3A_16, %swap3A_17, %swap3A_18], %swap3A_21 {strides = array<i32>} : memref<4x2048x128xf32, #tpu.memory_space<vmem>>, vector<1x2048x128xf32>,
    %slice3A_22 = vector.extract_strided_slice %add3A_9 {offsets = [0, 256], sizes = [2048, 128], strides = [1, 1]} : vector<2048x512xf32> to vector<2048x128xf32>
    %swap3A_23 = arith.constant 2 : index
    %swap3A_24 = arith.constant 0 : index
    %swap3A_25 = arith.constant 0 : index
    %swap3A_26 = vector.load %arg4[%swap3A_23, %swap3A_24, %swap3A_25] : memref<4x2048x128xf32, #tpu.memory_space<vmem>>, vector<1x2048x128xf32>
    %swap3A_27 = vector.shape_cast %swap3A_26 : vector<1x2048x128xf32> to vector<2048x128xf32>
    %swap3A_28 = vector.shape_cast %slice3A_22 : vector<2048x128xf32> to vector<1x2048x128xf32>
    tpu.vector_store %arg4[%swap3A_23, %swap3A_24, %swap3A_25], %swap3A_28 {strides = array<i32>} : memref<4x2048x128xf32, #tpu.memory_space<vmem>>, vector<1x2048x128xf32>,
    %slice3A_29 = vector.extract_strided_slice %add3A_9 {offsets = [0, 384], sizes = [2048, 128], strides = [1, 1]} : vector<2048x512xf32> to vector<2048x128xf32>
    %swap3A_30 = arith.constant 3 : index
    %swap3A_31 = arith.constant 0 : index
    %swap3A_32 = arith.constant 0 : index
    %swap3A_33 = vector.load %arg4[%swap3A_30, %swap3A_31, %swap3A_32] : memref<4x2048x128xf32, #tpu.memory_space<vmem>>, vector<1x2048x128xf32>
    %swap3A_34 = vector.shape_cast %swap3A_33 : vector<1x2048x128xf32> to vector<2048x128xf32>
    %swap3A_35 = vector.shape_cast %slice3A_29 : vector<2048x128xf32> to vector<1x2048x128xf32>
    tpu.vector_store %arg4[%swap3A_30, %swap3A_31, %swap3A_32], %swap3A_35 {strides = array<i32>} : memref<4x2048x128xf32, #tpu.memory_space<vmem>>, vector<1x2048x128xf32>,
    return
  }
  func.func @transform_0(%arg0: i32) -> (i32, i32) {
    %c0_i32 = arith.constant 0 : i32
    %c0_i32_0 = arith.constant 0 : i32
    %c0_i32_1 = arith.constant 0 : i32
    return %c0_i32, %c0_i32_0 : i32, i32
  }
  func.func @transform_1(%arg0: i32) -> (i32, i32) {
    %c0_i32 = arith.constant 0 : i32
    %c0_i32_0 = arith.constant 0 : i32
    return %c0_i32, %arg0 : i32, i32
  }
  func.func @transform_2(%arg0: i32) -> (i32, i32) {
    %c0_i32 = arith.constant 0 : i32
    %c0_i32_0 = arith.constant 0 : i32
    return %c0_i32, %arg0 : i32, i32
  }
  func.func @transform_3(%arg0: i32) -> (i32, i32, i32) {
    %c0_i32 = arith.constant 0 : i32
    %c0_i32_0 = arith.constant 0 : i32
    %c0_i32_1 = arith.constant 0 : i32
    return %arg0, %c0_i32, %c0_i32_0 : i32, i32, i32
  }
}

module attributes {stable_mosaic.version = 14 : i64} {
  func.func @_sel_body(%arg0: i32, %arg1: memref<4096x128xf32, #tpu.memory_space<vmem>>, %arg2: memref<512x8xi32, #tpu.memory_space<vmem>>, %arg3: memref<512x8x64xf32, #tpu.memory_space<vmem>>) attributes {dimension_semantics = [#tpu.dimension_semantics<arbitrary>], iteration_bounds = array<i64: 4>, scalar_prefetch = 0 : i64, scratch_operands = 0 : i64, tpu.core_type = #tpu.core_type<tc>, window_params = [{transform_indices = @transform_0, window_bounds = array<i64: 4096, 128>}, {transform_indices = @transform_1, window_bounds = array<i64: 512, 8>}, {transform_indices = @transform_2, window_bounds = array<i64: 512, 8, 64>}]} {
    %get3A = arith.constant 0 : index
    %get3A_0 = arith.constant 0 : index
    %get3A_1 = vector.load %arg1[%get3A, %get3A_0] : memref<4096x128xf32, #tpu.memory_space<vmem>>, vector<4096x128xf32>
    %reshape3A = vector.shape_cast %get3A_1 : vector<4096x128xf32> to vector<512x8x128xf32>
    %get3A_2 = arith.constant 0 : index
    %get3A_3 = arith.constant 0 : index
    %get3A_4 = vector.load %arg2[%get3A_2, %get3A_3] : memref<512x8xi32, #tpu.memory_space<vmem>>, vector<512x8xi32>
    %and3A = arith.constant 1 : i32
    %and3A_5 = vector.broadcast %and3A : i32 to vector<512x8xi32>
    %and3A_6 = arith.andi %get3A_4, %and3A_5 : vector<512x8xi32>
    %broadcast_in_dim3A = vector.shape_cast %and3A_6 : vector<512x8xi32> to vector<512x8x1xi32>
    %eq3A = arith.constant 1 : i32
    %eq3A_7 = vector.broadcast %eq3A : i32 to vector<512x8x1xi32>
    %eq3A_8 = arith.cmpi eq, %broadcast_in_dim3A, %eq3A_7 : vector<512x8x1xi32>
    %slice3A = vector.extract_strided_slice %reshape3A {offsets = [0, 0, 64], sizes = [512, 8, 64], strides = [1, 1, 1]} : vector<512x8x128xf32> to vector<512x8x64xf32>
    %slice3A_9 = vector.extract_strided_slice %reshape3A {offsets = [0, 0, 0], sizes = [512, 8, 64], strides = [1, 1, 1]} : vector<512x8x128xf32> to vector<512x8x64xf32>
    %broadcast_in_dim3A_10 = vector.shape_cast %eq3A_8 : vector<512x8x1xi1> to vector<512x8x1xi1>
    %broadcast_in_dim3A_11 = vector.broadcast %broadcast_in_dim3A_10 : vector<512x8x1xi1> to vector<512x8x64xi1>
    %select_n3A = arith.select %broadcast_in_dim3A_11, %slice3A, %slice3A_9 : vector<512x8x64xi1>, vector<512x8x64xf32>
    %swap3A = arith.constant 0 : index
    %swap3A_12 = arith.constant 0 : index
    %swap3A_13 = arith.constant 0 : index
    %swap3A_14 = vector.load %arg3[%swap3A, %swap3A_12, %swap3A_13] : memref<512x8x64xf32, #tpu.memory_space<vmem>>, vector<512x8x64xf32>
    tpu.vector_store %arg3[%swap3A, %swap3A_12, %swap3A_13], %select_n3A {strides = array<i32>} : memref<512x8x64xf32, #tpu.memory_space<vmem>>, vector<512x8x64xf32>,
    return
  }
  func.func @transform_0(%arg0: i32) -> (i32, i32) {
    %c0_i32 = arith.constant 0 : i32
    %c0_i32_0 = arith.constant 0 : i32
    return %arg0, %c0_i32 : i32, i32
  }
  func.func @transform_1(%arg0: i32) -> (i32, i32) {
    %c0_i32 = arith.constant 0 : i32
    %c0_i32_0 = arith.constant 0 : i32
    return %arg0, %c0_i32 : i32, i32
  }
  func.func @transform_2(%arg0: i32) -> (i32, i32, i32) {
    %c0_i32 = arith.constant 0 : i32
    %c0_i32_0 = arith.constant 0 : i32
    %c0_i32_1 = arith.constant 0 : i32
    return %arg0, %c0_i32, %c0_i32_0 : i32, i32, i32
  }
}

</mosaic_0001>

<sc_bundles>
// kernel: kernel.5.cloned.1.call-start
scs
__scs_entry_jumppad:
0x0: {  	(pc) =	sbr.rel $0x88, $3  }
0x1: {  	(tag) =	ssettag $0x0;
	lr =	simm.s32 $0x1  }
0x2: {  	[smem:$0x3F9D] =	sst lr;
	_ =	strace $0xD0000000  }
0x3: {  	_ = 	snop  }
0x4: {  	_ = 	snop  }
0x5: {  	_ = 	snop  }
0x6: {  	_ = 	snop  }
0x7: {  	_ = 	snop  }
__scs_overlays_trampoline_lowered:
0x8: {  	[smem:$0x3FAC] =	sst s0  }
0x9: {  	[smem:$0x3FAD] =	sst s1  }
0xa: {  	[smem:$0x3FAE] =	sst s2  }
0xb: {  	[smem:$0x3FAF] =	sst s3  }
0xc: {  	[smem:$0x3FB0] =	sst s4  }
0xd: {  	[smem:$0x3FB1] =	sst s5  }
0xe: {  	[smem:$0x3FB2] =	sst s6  }
0xf: {  	[smem:$0x3FB3] =	sst s7  }
0x10: {  	[smem:$0x3FB4] =	sst s8  }
0x11: {  	[smem:$0x3FB5] =	sst s9;
	s0 =	simm.s32 @!p0 $0x0  }
0x12: {  	s1 =	sld [smem:$0x3F9B];
	s0 =	simm.s32 @p0 $0x1  }
0x13: {  	[smem:$0x3FB6] =	sst s0;
	s0 =	simm.s32 @!p1 $0x0  }
0x14: {  	s2 =	sld [smem:$0x3F9A];
	s0 =	simm.s32 @p1 $0x1  }
0x15: {  	[smem:$0x3FB7] =	sst s0;
	s0 =	simm.s32 @!p2 $0x0  }
0x16: {  	s3 =	sld [smem:$0x3FDB];
	s0 =	simm.s32 @p2 $0x1  }
0x17: {  	s4 =	simm.s32 $0x1BF5;
	[smem:$0x3FB9] =	sst s0  }
0x18: {  	s0 =	sld [smem:$0x3F9C];
	_ =	swait.ge [sflag:s4], $0x0  }
0x19: {  	s7 =	sld [smem:$0x3F9D]  }
0x1a: {  	s8 =	sadd.s32 $0xFFFFE003, lr  }
0x1b: {  	s9 =	sadd.s32 $0xFFFFFEF7, lr;
	s5 =	simm.s32 $0xFFFFFFFF;
	p2 =	slt.u32 s8, $0xFFFFF086  }
0x1c: {  	p1 =	slt.u32 s9, $0xF7A;
	s5 =	simm.s32 @!p2 $0x0  }
0x1d: {  	s5 =	simm.s32 @p1 $0x1;
	p0 =	seq.s32 s7, s2  }
0x1e: {  	s7 =	smul.u32 @!p0 $0xF7A, s2;
	p2 =	seq.s32 @!p0 s5, $0x0  }
0x1f: {  	s9 =	smul.u32 $0xF7A, s1;
	s8 =	simm.s32 @!p0 $0x1BF5;
	p2 =	por !p2, p0  }
0x20: {  	[sflag:s8] =	ssyncset.s32 @!p0 $0xFFFFF086;
	s6 =	sadd.s32 @!p0 s3, s7;
	s7 =	simm.s32 @!p0 $0x108  }
0x21: {  	s3 =	sadd.s32 s3, s9;
	s6 =	sadd.s32 @!p0 $0x88, s6;
	s7 =	simm.s32 @p2 $0x1082  }
0x22: {  	[simem:s7], [sflag:s8] =	dma.local @!p0 [hbm:s6], $0xF7A  }
0x23: {  	s9 =	sor.u32 $0xD0000000, s2;
	s6 =	simm.s32 $0x108;
	_ =	swait.ge @!p0 [sflag:s8], $0x0  }
0x24: {  	s3 =	sadd.s32 $0x88, s3;
	s6 =	simm.s32 @!p1 $0x1082;
	[sflag:s4] =	ssyncset.s32 $0xFFFFF086  }
0x25: {  	[simem:s6], [sflag:s4] =	dma.local [hbm:s3], $0xF7A  }
0x26: {  	[smem:$0x3F9D] =	sst s1;
	(tag) =	ssettag s2;
	_ =	strace s9  }
0x27: {  	s1 =	sld [smem:$0x3FAD]  }
0x28: {  	s2 =	sld [smem:$0x3FAE]  }
0x29: {  	s4 =	sld [smem:$0x3FB0]  }
0x2a: {  	p0 =	seq.s32 s5, $0x0;
	s5 =	sld [smem:$0x3FB1]  }
0x2b: {  	s6 =	sld [smem:$0x3FB2]  }
0x2c: {  	s7 =	sld [smem:$0x3FB3]  }
0x2d: {  	s3 =	simm.s32 $0x108;
	s8 =	sld [smem:$0x3FB4]  }
0x2e: {  	s3 =	simm.s32 @!p0 $0x1082;
	s9 =	sld [smem:$0x3FB5]  }
0x2f: {  	lr =	sadd.s32 s0, s3;
	s0 =	sld [smem:$0x3FAC]  }
0x30: {  	s3 =	sld [smem:$0x3FAF]  }
0x31: {  	[smem:$0x3FB8] =	sst s10  }
0x32: {  	s10 =	sld [smem:$0x3FB6];
	_ =	sdelay $0x3  }
0x33: {  	p0 =	seq.s32 s10, $0x1;
	s10 =	sld [smem:$0x3FB8];
	_ =	sdelay $0x3  }
0x34: {  	[smem:$0x3FB8] =	sst s10  }
0x35: {  	s10 =	sld [smem:$0x3FB7];
	_ =	sdelay $0x3  }
0x36: {  	p1 =	seq.s32 s10, $0x1;
	s10 =	sld [smem:$0x3FB8];
	_ =	sdelay $0x3  }
0x37: {  	[smem:$0x3FB8] =	sst s10  }
0x38: {  	s10 =	sld [smem:$0x3FB9]  }
0x39: {  	_ = 	snop;
	(pc) =	sbr.ind lr, $3  }
0x3a: {  	_ = 	snop  }
0x3b: {  	_ = 	snop  }
0x3c: {  	p2 =	seq.s32 s10, $0x1;
	s10 =	sld [smem:$0x3FB8]  }
0x3d: {  	_ =	shalt  }
0x3e: {  	_ =	shalt  }
0x3f: {  	_ =	shalt  }
0x40: {  	_ =	shalt  }
0x41: {  	_ =	shalt  }
0x42: {  	_ =	shalt  }
0x43: {  	_ =	shalt  }
0x44: {  	_ =	shalt  }
0x45: {  	_ =	shalt  }
0x46: {  	_ =	shalt  }
0x47: {  	_ =	shalt  }
0x48: {  	_ =	shalt  }
0x49: {  	_ =	shalt  }
0x4a: {  	_ =	shalt  }
0x4b: {  	_ =	shalt  }
0x4c: {  	_ =	shalt  }
0x4d: {  	_ =	shalt  }
0x4e: {  	_ =	shalt  }
0x4f: {  	_ =	shalt  }
0x50: {  	_ =	shalt  }
0x51: {  	_ =	shalt  }
0x52: {  	_ =	shalt  }
0x53: {  	_ =	shalt  }
0x54: {  	_ =	shalt  }
0x55: {  	_ =	shalt  }
0x56: {  	_ =	shalt  }
0x57: {  	_ =	shalt  }
0x58: {  	_ =	shalt  }
0x59: {  	_ =	shalt  }
0x5a: {  	_ =	shalt  }
0x5b: {  	_ =	shalt  }
0x5c: {  	_ =	shalt  }
0x5d: {  	_ =	shalt  }
0x5e: {  	_ =	shalt  }
0x5f: {  	_ =	shalt  }
0x60: {  	_ =	shalt  }
0x61: {  	_ =	shalt  }
0x62: {  	_ =	shalt  }
0x63: {  	_ =	shalt  }
0x64: {  	_ =	shalt  }
0x65: {  	_ =	shalt  }
0x66: {  	_ =	shalt  }
0x67: {  	_ =	shalt  }
0x68: {  	_ =	shalt  }
0x69: {  	_ =	shalt  }
0x6a: {  	_ =	shalt  }
0x6b: {  	_ =	shalt  }
0x6c: {  	_ =	shalt  }
0x6d: {  	_ =	shalt  }
0x6e: {  	_ =	shalt  }
0x6f: {  	_ =	shalt  }
0x70: {  	_ =	shalt  }
0x71: {  	_ =	shalt  }
0x72: {  	_ =	shalt  }
0x73: {  	_ =	shalt  }
0x74: {  	_ =	shalt  }
0x75: {  	_ =	shalt  }
0x76: {  	_ =	shalt  }
0x77: {  	_ =	shalt  }
0x78: {  	_ =	shalt  }
0x79: {  	_ =	shalt  }
0x7a: {  	_ =	shalt  }
0x7b: {  	_ =	shalt  }
0x7c: {  	_ =	shalt  }
0x7d: {  	_ =	shalt  }
0x7e: {  	_ =	shalt  }
0x7f: {  	_ =	shalt  }
0x80: {  	_ =	shalt  }
0x81: {  	_ =	shalt  }
0x82: {  	_ =	shalt  }
0x83: {  	_ =	shalt  }
0x84: {  	_ =	shalt  }
0x85: {  	_ =	shalt  }
0x86: {  	_ =	shalt  }
0x87: {  	_ =	shalt  }
.Lfunc_end0:
.L_simem_size_0:
called_computation_lowered:
.L_overlay_start_0:
0x88: {  	s2 =	sld [smem:$0x3FD9]  }
0x89: {  	s3 =	sld [smem:$0x3FFE];
	_ =	sdelay $0x1  }
0x8a: {  	s1 =	srdreg.scid  }
0x8b: {  	s0 =	sand.u32 $0x1, s1  }
0x8c: {  	s17 =	sshll.u32 s0, $0xA;
	s2 =	sadd.s32 s3, s2  }
0x8d: {  	s2 =	sadd.s32 s2, s17  }
0x8e: {  	[smem:$0x3FC4] =	sst s2  }
0x8f: {  	_ = 	snop  }
0x90: {  	s2 =	sld [smem:$0x3FD0];
	(tm) =	ssettm $0x1  }
0x91: {  	s18 =	sld [smem:$0x3FFB];
	_ =	sdelay $0x3  }
0x92: {  	_ =	strace s18  }
0x93: {  	s3 =	sld [smem:$0x3FFC];
	_ =	sdelay $0x3  }
0x94: {  	_ =	strace s3  }
0x95: {  	s3 =	sld [smem:$0x3FFD];
	_ =	sdelay $0x3  }
0x96: {  	_ =	strace s3  }
0x97: {  	_ =	strace $0x8FFFFFFF  }
0x98: {  	s19 =	sld [smem:$0x3FDB];
	_ =	sdelay $0x1  }
0x99: {  	s4 =	simm.s32 $_scs_section_size  }
0x9a: {  	s5 =	simm.s32 $_size__tile_overlayer_lowered;
	s6 =	simm.s32 $_tile_overlayer_lowered  }
0x9b: {  	s22 =	simm.s32 $0x1BFF;
	s21 =	sshll.u32 s6, $0x1;
	s3 =	sadd.s32 s4, s19  }
0x9c: {  	s7 =	simm.s32 $0x0;
	s20 =	sshll.u32 s5, $0x1;
	s5 =	sadd.s32 s21, s3  }
0x9d: {  	[timem:s7], [sflag:s22] =	dma.local [hbm:s5], s20  }
0x9e: {  	_ =	swait.ge [sflag:s22], s20  }
0x9f: {  	s4 =	ssub.s32 $0x0, s20;
	[sflag:s22] =	ssyncset.done $0x0  }
0xa0: {  	[sflag:s22] =	ssyncadd.s32 s4;
	_ =	sdelay $0x1  }
0xa1: {  	s23 =	simm.s32 $0x1B8B  }
0xa2: {  	_ =	swait.ge [sflag:s23], $0x1  }
0xa3: {  	[sflag:s23] =	ssyncset.done $0x0  }
0xa4: {  	s25 =	simm.s32 $0x1B8E;
	s24 =	sld [smem:$0x3FFE];
	[sflag:s23] =	ssyncadd.s32 $0xFFFFFFFF  }
0xa5: {  	s26 =	simm.s32 $execute0_lowered;
	[smem:$0x3FD2] =	sst s25  }
0xa6: {  	s5 =	sshll.u32 s26, $0x1;
	_ =	strace $0x80000046;
	[dreg:$0x1] =	wrdreg $0xFFFFFFFF  }
0xa7: {  	s28 =	simm.s32 $_size_execute0_lowered;
	s3 =	sadd.s32 s3, s5;
	[dreg:$0x0] =	wrdreg $0x0  }
0xa8: {  	s5 =	sshll.u32 s28, $0x1;
	[dreg:$0x2] =	wrdreg s3  }
0xa9: {  	[dreg:$0x3] =	wrdreg s5  }
0xaa: {  	[dreg:$0x4] =	wrdreg $0xC0  }
0xab: {  	_ =	task [dreg:s7], $0x5FFFF  }
0xac: {  	[dreg:$0x1] =	wrdreg $0xFFFFFFFF  }
0xad: {  	[dreg:$0x0] =	wrdreg $0x60  }
0xae: {  	[dreg:$0x2] =	wrdreg s24  }
0xaf: {  	[dreg:$0x3] =	wrdreg s2  }
0xb0: {  	[dreg:$0x4] =	wrdreg $0x9  }
0xb1: {  	_ =	task.clear_ibuf [dreg:s7], $0x5FFFF;
	_ =	strace $0x90000046  }
0xb2: {  	s29 =	simm.s32 $0x9;
	_ =	strace $0x80000048  }
0xb3: {  	_ =	swait.ge [sflag:s29], $0x1  }
0xb4: {  	[sflag:s29] =	ssyncadd.s32 $0xFFFFFFFF  }
0xb5: {  	_ =	strace $0x90000048  }
0xb6: {  	_ =	sfence  }
0xb7: {  	s30 =	sld [smem:$0x0];
	_ =	sdelay $0x2  }
0xb8: {  	s31 =	sshll.u32 s1, $0xD;
	s1 =	sshrl.u32 s1, $0x2  }
0xb9: {  	s3 =	sand.u32 $0x4000, s31;
	s1 =	sadd.s32 s1, s30  }
0xba: {  	s0 =	sor.u32 s3, s0;
	s1 =	sshll.u32 s1, $0x11  }
0xbb: {  	s0 =	sor.u32 s1, s0  }
0xbc: {  	s0 =	sadd.s32 $0x8F2B, s0  }
0xbd: {  	[sflag:s0] =	ssyncadd.remote.s32 $0x1  }
0xbe: {  	_ =	sfence.sel $0xFFFF  }
0xbf: {  	[dreg:$0x0] =	wrdreg $0xFFFFFFFF;
	(pc) =	sbr.abs _section_cstart, $3  }
0xc0: {  	[dreg:$0x1] =	wrdreg $0xFFFFFFFF  }
0xc1: {  	_ =	task.clear_ibuf [dreg:s7], $0x2FFFF;
	_ =	strace $0x9FFFFFFF  }
0xc2: {  	(tm) =	ssettm $0x7FFFFFFF  }
0xc3: {  	_ =	shalt  }
tec
execute0_lowered:
.L_overlay_start_1:
0x0: {  	(tag) =	ssettag $0x1  }
0x1: {  	s1 =	srdreg.scid  }
0x2: {  	s9 =	rddreg [dreg:$0x0];
	s0 =	stileid.u32;
	s10 =	sand.u32 $0x1, s1  }
0x3: {  	s3 =	rddreg [dreg:$0x1];
	s4 =	sshll.u32 s0, $0xA;
	s5 =	sshll.u32 s10, $0x9  }
0x4: {  	s2 =	simm.s32 $0x0;
	s1 =	rddreg [dreg:$0x2];
	s13 =	sor.u32 s5, s4  }
0x5: {  	[smem:$0x7FF] =	sst s2;
	s4 =	sshrl.u32 s13, $0x3  }
0x6: {  	_ =	strace $0x80000047;
	s3 =	sadd.s32 s3, s4;
	s4 =	simm.s32 $0x3  }
0x7: {  	[tilespmem:s2], [sflag:$0x3] =	stream.linear.gather [hbm4b:s3+s2], $0x200, $0x38;
	[tilespmem:$0x10200] =	vst v63  }
0x8: {  	_ =	swait.ge [sflag:s4], $0x200  }
0x9: {  	[sflag:s4] =	ssyncset.done $0x0  }
0xa: {  	[sflag:s4] =	ssyncadd.s32 $0xFFFFFE00  }
0xb: {  	v29 =	vlaneseq.u32;
	s5 =	sor.u32 $0x10, s13;
	s6 =	sor.u32 $0x20, s13;
	v6 =	vld [tilespmem:$0x40]  }
0xc: {  	v7 =	vor.u32 s13, v29;
	s20 =	sor.u32 $0x30, s13;
	s21 =	sor.u32 $0x40, s13;
	s22 =	sor.u32 $0x50, s13;
	v0 =	vor.u32 s5, v29;
	v1 =	vor.u32 s6, v29;
	v8 =	vld [tilespmem:$0x20]  }
0xd: {  	s23 =	sor.u32 $0x60, s13;
	s24 =	sor.u32 $0x70, s13;
	v2 =	vor.u32 s20, v29;
	v3 =	vor.u32 s21, v29;
	v4 =	vor.u32 s22, v29;
	v9 =	vld [tilespmem:$0x30]  }
0xe: {  	v5 =	vor.u32 s23, v29;
	v12 =	vor.u32 s24, v29;
	v7 =	vshrl.u32 v7, $0x3;
	v10 =	vld [tilespmem:$0x10]  }
0xf: {  	v0 =	vshrl.u32 v0, $0x3;
	v1 =	vshrl.u32 v1, $0x3;
	v2 =	vshrl.u32 v2, $0x3;
	v11 =	vld [tilespmem:$0x70]  }
0x10: {  	v3 =	vshrl.u32 v3, $0x3;
	v4 =	vshrl.u32 v4, $0x3;
	v13 =	vld [tilespmem:$0x50];
	v14 =	vshll.u32 v6, $0xA  }
0x11: {  	v15 =	vld [tilespmem:$0x0];
	v6 =	vshrl.u32 v12, $0x3;
	v8 =	vshll.u32 v8, $0xA;
	v14 =	vand.u32 $0xFFFFF800, v14  }
0x12: {  	v12 =	vld [tilespmem:$0x60];
	v9 =	vshll.u32 v9, $0xA;
	v8 =	vand.u32 $0xFFFFF800, v8;
	v14 =	vadd.s32 v3, v14  }
0x13: {  	v10 =	vshll.u32 v10, $0xA;
	v9 =	vand.u32 $0xFFFFF800, v9;
	v8 =	vadd.s32 v1, v8;
	[tilespmem:$0x40] =	vst v14  }
0x14: {  	v11 =	vshll.u32 v11, $0xA;
	v10 =	vand.u32 $0xFFFFF800, v10;
	v9 =	vadd.s32 v2, v9;
	[tilespmem:$0x20] =	vst v8  }
0x15: {  	v11 =	vand.u32 $0xFFFFF800, v11;
	v10 =	vadd.s32 v0, v10;
	v8 =	vshll.u32 v13, $0xA;
	[tilespmem:$0x30] =	vst v9  }
0x16: {  	v11 =	vadd.s32 v6, v11;
	[tilespmem:$0x10] =	vst v10;
	v10 =	vshll.u32 v15, $0xA;
	v8 =	vand.u32 $0xFFFFF800, v8  }
0x17: {  	[tilespmem:$0x70] =	vst v11;
	v10 =	vand.u32 $0xFFFFF800, v10;
	v9 =	vshll.u32 v12, $0xA;
	v8 =	vadd.s32 v4, v8  }
0x18: {  	v5 =	vshrl.u32 v5, $0x3;
	v9 =	vand.u32 $0xFFFFF800, v9;
	[tilespmem:$0x50] =	vst v8;
	v8 =	vor.u32 v7, v10  }
0x19: {  	v9 =	vadd.s32 v5, v9;
	[tilespmem:$0x0] =	vst v8  }
0x1a: {  	s7 =	simm.s32 $0x80;
	s5 =	sadd.s32 $0xC00, s9;
	s6 =	simm.s32 $0x200;
	[tilespmem:$0x60] =	vst v9  }
0x1b: {  	[tilespmem:s6], [sflag:$0x1] =	stream.indirect.gather [hbm4b:s5+s7], $0x80, s2, s7, $0xb8;
	[tilespmem:$0x10200] =	vst v63  }
0x1c: {  	v14 =	vld [tilespmem:$0x80]  }
0x1d: {  	s12 =	sor.u32 $0xB0, s13;
	s28 =	sor.u32 $0xD0, s13;
	s30 =	sor.u32 $0xF0, s13;
	v15 =	vld [tilespmem:$0x90]  }
0x1e: {  	s26 =	sor.u32 $0xC0, s13;
	s29 =	sor.u32 $0xE0, s13;
	v18 =	vor.u32 s28, v29;
	v20 =	vor.u32 s30, v29;
	v11 =	vor.u32 s12, v29;
	v16 =	vld [tilespmem:$0xA0]  }
0x1f: {  	s8 =	sor.u32 $0x90, s13;
	s25 =	sor.u32 $0xA0, s13;
	v13 =	vor.u32 s29, v29;
	v11 =	vshrl.u32 v11, $0x3;
	v12 =	vor.u32 s26, v29;
	v17 =	vld [tilespmem:$0xB0]  }
0x20: {  	s11 =	sor.u32 $0x80, s13;
	v10 =	vor.u32 s25, v29;
	v12 =	vshrl.u32 v12, $0x3;
	v9 =	vor.u32 s8, v29;
	v19 =	vld [tilespmem:$0xC0]  }
0x21: {  	v8 =	vor.u32 s11, v29;
	v10 =	vshrl.u32 v10, $0x3;
	v9 =	vshrl.u32 v9, $0x3;
	v23 =	vld [tilespmem:$0xD0]  }
0x22: {  	v22 =	vld [tilespmem:$0xF0];
	v21 =	vshll.u32 v14, $0xA;
	v14 =	vshrl.u32 v20, $0x3;
	v15 =	vshll.u32 v15, $0xA  }
0x23: {  	v16 =	vshll.u32 v16, $0xA;
	v20 =	vand.u32 $0xFFFFF800, v21;
	v21 =	vld [tilespmem:$0xE0];
	v15 =	vand.u32 $0xFFFFF800, v15  }
0x24: {  	v8 =	vshrl.u32 v8, $0x3;
	v16 =	vand.u32 $0xFFFFF800, v16;
	v15 =	vadd.s32 v9, v15  }
0x25: {  	v17 =	vshll.u32 v17, $0xA;
	v20 =	vadd.s32 v8, v20;
	[tilespmem:$0x90] =	vst v15;
	v15 =	vadd.s32 v10, v16  }
0x26: {  	[tilespmem:$0x80] =	vst v20;
	v16 =	vand.u32 $0xFFFFF800, v17;
	v17 =	vshll.u32 v19, $0xA;
	v19 =	vshll.u32 v23, $0xA  }
0x27: {  	[tilespmem:$0xA0] =	vst v15;
	v15 =	vadd.s32 v11, v16;
	v16 =	vand.u32 $0xFFFFF800, v17;
	v17 =	vshll.u32 v22, $0xA  }
0x28: {  	[tilespmem:$0xB0] =	vst v15;
	v15 =	vadd.s32 v12, v16;
	v17 =	vand.u32 $0xFFFFF800, v17;
	v16 =	vshll.u32 v21, $0xA  }
0x29: {  	[tilespmem:$0xC0] =	vst v15;
	v17 =	vadd.s32 v14, v17;
	v15 =	vshrl.u32 v18, $0x3;
	v18 =	vand.u32 $0xFFFFF800, v19  }
0x2a: {  	v13 =	vshrl.u32 v13, $0x3;
	v16 =	vand.u32 $0xFFFFF800, v16;
	[tilespmem:$0xF0] =	vst v17;
	v17 =	vadd.s32 v15, v18  }
0x2b: {  	v16 =	vadd.s32 v13, v16;
	[tilespmem:$0xD0] =	vst v17  }
0x2c: {  	s22 =	sor.u32 $0x190, s13;
	s30 =	sor.u32 $0x1F0, s13;
	s8 =	simm.s32 $0x4200;
	[tilespmem:$0xE0] =	vst v16  }
0x2d: {  	[tilespmem:s8], [sflag:$0x1] =	stream.indirect.gather [hbm4b:s5+s7], $0x80, s7, s7, $0xb8;
	[tilespmem:$0x10200] =	vst v63  }
0x2e: {  	s15 =	sor.u32 $0x140, s13;
	s20 =	sor.u32 $0x160, s13;
	s21 =	sor.u32 $0x170, s13;
	v31 =	vor.u32 s22, v29;
	v63 =	vor.u32 s30, v29;
	v24 =	vld [tilespmem:$0x100]  }
0x2f: {  	v20 =	vor.u32 s15, v29;
	v23 =	vor.u32 s21, v29;
	v22 =	vor.u32 s20, v29;
	v25 =	vld [tilespmem:$0x110]  }
0x30: {  	s17 =	sor.u32 $0x120, s13;
	s18 =	sor.u32 $0x130, s13;
	s19 =	sor.u32 $0x150, s13;
	v20 =	vshrl.u32 v20, $0x3;
	v23 =	vshrl.u32 v23, $0x3;
	v22 =	vshrl.u32 v22, $0x3;
	v26 =	vld [tilespmem:$0x120]  }
0x31: {  	s14 =	sor.u32 $0x110, s13;
	v19 =	vor.u32 s18, v29;
	v21 =	vor.u32 s19, v29;
	v18 =	vor.u32 s17, v29;
	v27 =	vld [tilespmem:$0x130]  }
0x32: {  	s31 =	sor.u32 $0x100, s13;
	v19 =	vshrl.u32 v19, $0x3;
	v21 =	vshrl.u32 v21, $0x3;
	v17 =	vor.u32 s14, v29;
	v33 =	vld [tilespmem:$0x140]  }
0x33: {  	v16 =	vor.u32 s31, v29;
	v17 =	vshrl.u32 v17, $0x3;
	v28 =	vld [tilespmem:$0x150];
	v24 =	vshll.u32 v24, $0xA  }
0x34: {  	v16 =	vshrl.u32 v16, $0x3;
	v30 =	vld [tilespmem:$0x160];
	v25 =	vshll.u32 v25, $0xA;
	v24 =	vand.u32 $0xFFFFF800, v24  }
0x35: {  	v32 =	vld [tilespmem:$0x170];
	v26 =	vshll.u32 v26, $0xA;
	v25 =	vand.u32 $0xFFFFF800, v25;
	v24 =	vadd.s32 v16, v24  }
0x36: {  	s10 =	ssub.s32 $0x2, s10;
	v18 =	vshrl.u32 v18, $0x3;
	[tilespmem:$0x100] =	vst v24;
	v24 =	vadd.s32 v17, v25;
	v25 =	vand.u32 $0xFFFFF800, v26  }
0x37: {  	s16 =	sor.u32 $0x180, s13;
	s23 =	sshrl.u32 s10, $0x1;
	s24 =	sadd.s32 $0x100C00, s9;
	v26 =	vshll.u32 v27, $0xA;
	v27 =	vshll.u32 v33, $0xA;
	[tilespmem:$0x110] =	vst v24;
	v24 =	vadd.s32 v18, v25  }
0x38: {  	s28 =	sshll.u32 s16, $0x4;
	s12 =	sshll.u32 s31, $0x4;
	s29 =	sor.u32 $0x1E0, s13;
	v25 =	vand.u32 $0xFFFFF800, v26;
	v26 =	vshll.u32 v28, $0xA;
	v27 =	vand.u32 $0xFFFFF800, v27  }
0x39: {  	s26 =	sshll.u32 s11, $0x4;
	s25 =	sshll.u32 s13, $0x4;
	s14 =	ssub.s32 s10, s23;
	[tilespmem:$0x120] =	vst v24;
	v24 =	vadd.s32 v19, v25;
	v25 =	vand.u32 $0xFFFFF800, v26;
	v26 =	vshll.u32 v30, $0xA  }
0x3a: {  	s9 =	sadd.s32 s24, s25;
	s11 =	sadd.s32 s24, s26;
	s31 =	smax.u32 s14, $0x1;
	[tilespmem:$0x130] =	vst v24;
	v24 =	vadd.s32 v21, v25;
	v25 =	vand.u32 $0xFFFFF800, v26;
	v26 =	vshll.u32 v32, $0xA  }
0x3b: {  	s15 =	simm.s32 $0xC200;
	s19 =	sor.u32 $0x1C0, s13;
	p0 =	sne.s32 s31, $0x1;
	[tilespmem:$0x150] =	vst v24;
	v24 =	vadd.s32 v22, v25;
	v25 =	vand.u32 $0xFFFFF800, v26;
	v26 =	vor.u32 s16, v29  }
.Ltmp0:
0x3c: {  	s20 =	sor.u32 $0x1D0, s13;
	s17 =	sor.u32 $0x1A0, s13;
	v30 =	vor.u32 s19, v29;
	[tilespmem:$0x160] =	vst v24;
	v28 =	vadd.s32 v23, v25;
	v24 =	vshrl.u32 v26, $0x3;
	(pc) =	sbr.rel @!p0 .LBB2_2-.Ltmp0, $4  }
0x3d: {  	s18 =	sor.u32 $0x1B0, s13;
	s13 =	simm.s32 $0x8200;
	s10 =	sadd.s32 s24, s12;
	v25 =	vshrl.u32 v31, $0x3;
	v26 =	vadd.s32 v20, v27;
	v27 =	vor.u32 s17, v29;
	[tilespmem:$0x170] =	vst v28  }
0x3e: {  	s12 =	sadd.s32 s24, s28;
	s14 =	simm.s32 $0x2;
	s19 =	sadd.s32 $0xFFFFFFFF, s31;
	v31 =	vor.u32 s29, v29;
	v28 =	vor.u32 s18, v29;
	[tilespmem:$0x140] =	vst v26;
	v26 =	vshrl.u32 v27, $0x3  }
0x3f: {  	s16 =	simm.s32 $0x1;
	s17 =	simm.s32 $0x180;
	s18 =	simm.s32 $0x100;
	v27 =	vshrl.u32 v28, $0x3;
	v28 =	vshrl.u32 v30, $0x3;
	v30 =	vor.u32 s20, v29  }
0x40: {  	[tilespmem:s13], [sflag:$0x1] =	stream.indirect.gather [hbm4b:s5+s7], $0x80, s18, s7, $0xb8;
	v29 =	vshrl.u32 v30, $0x3;
	v30 =	vshrl.u32 v31, $0x3;
	v31 =	vshrl.u32 v63, $0x3;
	[tilespmem:$0x10200] =	vst v63  }
.LBB2_1:
0x41: {  	p0 =	sne.s32 s19, $0x1;
	s19 =	sadd.s32 $0xFFFFFFFF, s19;
	v32 =	vld [tilespmem:$0x1F0]  }
0x42: {  	v33 =	vld [tilespmem:$0x1E0]  }
0x43: {  	v34 =	vld [tilespmem:$0x1D0]  }
0x44: {  	v35 =	vld [tilespmem:$0x1C0]  }
0x45: {  	v36 =	vld [tilespmem:$0x1B0]  }
0x46: {  	v37 =	vld [tilespmem:$0x1A0];
	v32 =	vshll.u32 v32, $0xA  }
0x47: {  	v38 =	vld [tilespmem:$0x190];
	v33 =	vshll.u32 v33, $0xA;
	v32 =	vand.u32 $0xFFFFF800, v32  }
0x48: {  	v39 =	vld [tilespmem:$0x180];
	v34 =	vshll.u32 v34, $0xA;
	v33 =	vand.u32 $0xFFFFF800, v33;
	v32 =	vadd.s32 v31, v32  }
0x49: {  	v35 =	vshll.u32 v35, $0xA;
	v34 =	vand.u32 $0xFFFFF800, v34;
	v33 =	vadd.s32 v30, v33;
	[tilespmem:$0x1F0] =	vst v32  }
0x4a: {  	v32 =	vshll.u32 v36, $0xA;
	v35 =	vand.u32 $0xFFFFF800, v35;
	v34 =	vadd.s32 v29, v34;
	[tilespmem:$0x1E0] =	vst v33  }
0x4b: {  	v33 =	vshll.u32 v37, $0xA;
	v32 =	vand.u32 $0xFFFFF800, v32;
	v35 =	vadd.s32 v28, v35;
	[tilespmem:$0x1D0] =	vst v34  }
0x4c: {  	v34 =	vshll.u32 v38, $0xA;
	v33 =	vand.u32 $0xFFFFF800, v33;
	v32 =	vadd.s32 v27, v32;
	[tilespmem:$0x1C0] =	vst v35  }
0x4d: {  	v35 =	vshll.u32 v39, $0xA;
	v34 =	vand.u32 $0xFFFFF800, v34;
	v33 =	vadd.s32 v26, v33;
	[tilespmem:$0x1B0] =	vst v32  }
0x4e: {  	v32 =	vand.u32 $0xFFFFF800, v35;
	v34 =	vadd.s32 v25, v34;
	[tilespmem:$0x1A0] =	vst v33  }
0x4f: {  	v32 =	vadd.s32 v24, v32;
	[tilespmem:$0x190] =	vst v34  }
0x50: {  	[tilespmem:$0x180] =	vst v32  }
0x51: {  	[tilespmem:s15], [sflag:$0x1] =	stream.indirect.gather [hbm4b:s5+s7], $0x80, s17, s7, $0xb8;
	[tilespmem:$0x10200] =	vst v63  }
0x52: {  	_ =	swait.ge [sflag:s16], $0x4000  }
0x53: {  	[sflag:s16] =	ssyncset.done $0x0  }
0x54: {  	[sflag:s16] =	ssyncadd.s32 $0xFFFFC000  }
0x55: {  	[hbm4b:s9+s2] =	stream.linear.scatter [tilespmem:s6], [sflag:$0x2], $0x4000, $0x38;
	[tilespmem:$0x10200] =	vst v63  }
0x56: {  	_ =	swait.ge [sflag:s16], $0x4000  }
0x57: {  	[sflag:s16] =	ssyncset.done $0x0  }
0x58: {  	[sflag:s16] =	ssyncadd.s32 $0xFFFFC000  }
0x59: {  	[hbm4b:s11+s2] =	stream.linear.scatter [tilespmem:s8], [sflag:$0x2], $0x4000, $0x38;
	[tilespmem:$0x10200] =	vst v63  }
0x5a: {  	_ =	swait.ge [sflag:s16], $0x4000  }
0x5b: {  	[sflag:s16] =	ssyncset.done $0x0  }
0x5c: {  	[sflag:s16] =	ssyncadd.s32 $0xFFFFC000  }
0x5d: {  	[hbm4b:s10+s2] =	stream.linear.scatter [tilespmem:s13], [sflag:$0x2], $0x4000, $0x38;
	[tilespmem:$0x10200] =	vst v63  }
0x5e: {  	_ =	swait.ge [sflag:s16], $0x4000  }
0x5f: {  	[sflag:s16] =	ssyncset.done $0x0  }
0x60: {  	[sflag:s16] =	ssyncadd.s32 $0xFFFFC000  }
0x61: {  	[hbm4b:s12+s2] =	stream.linear.scatter [tilespmem:s15], [sflag:$0x2], $0x4000, $0x38;
	[tilespmem:$0x10200] =	vst v63  }
0x62: {  	_ =	swait.ge [sflag:s14], $0x4000  }
0x63: {  	[sflag:s14] =	ssyncset.done $0x0  }
0x64: {  	[sflag:s14] =	ssyncadd.s32 $0xFFFFC000  }
0x65: {  	_ =	swait.ge [sflag:s14], $0x4000  }
0x66: {  	[sflag:s14] =	ssyncset.done $0x0  }
0x67: {  	[sflag:s14] =	ssyncadd.s32 $0xFFFFC000  }
0x68: {  	_ =	swait.ge [sflag:s14], $0x4000  }
0x69: {  	[sflag:s14] =	ssyncset.done $0x0  }
0x6a: {  	[sflag:s14] =	ssyncadd.s32 $0xFFFFC000  }
0x6b: {  	_ =	swait.ge [sflag:s14], $0x4000  }
0x6c: {  	[sflag:s14] =	ssyncset.done $0x0  }
0x6d: {  	[sflag:s14] =	ssyncadd.s32 $0xFFFFC000  }
0x6e: {  	[tilespmem:s2], [sflag:$0x3] =	stream.linear.gather [hbm4b:s3+s2], $0x200, $0x38;
	[tilespmem:$0x10200] =	vst v63  }
0x6f: {  	_ =	swait.ge [sflag:s4], $0x200  }
0x70: {  	[sflag:s4] =	ssyncset.done $0x0  }
0x71: {  	[sflag:s4] =	ssyncadd.s32 $0xFFFFFE00  }
0x72: {  	v32 =	vld [tilespmem:$0x20]  }
0x73: {  	v33 =	vld [tilespmem:$0x40]  }
0x74: {  	v34 =	vld [tilespmem:$0x30]  }
0x75: {  	v35 =	vld [tilespmem:$0x60]  }
0x76: {  	v36 =	vld [tilespmem:$0x0]  }
0x77: {  	v37 =	vld [tilespmem:$0x70]  }
0x78: {  	v38 =	vld [tilespmem:$0x50]  }
0x79: {  	v39 =	vld [tilespmem:$0x10]  }
0x7a: {  	v35 =	vshll.u32 v35, $0xA  }
0x7b: {  	v32 =	vshll.u32 v32, $0xA;
	v33 =	vshll.u32 v33, $0xA;
	v34 =	vshll.u32 v34, $0xA  }
0x7c: {  	v32 =	vand.u32 $0xFFFFF800, v32;
	v33 =	vand.u32 $0xFFFFF800, v33;
	v34 =	vand.u32 $0xFFFFF800, v34  }
0x7d: {  	v32 =	vadd.s32 v1, v32;
	v33 =	vadd.s32 v3, v33;
	v34 =	vadd.s32 v2, v34  }
0x7e: {  	v36 =	vshll.u32 v36, $0xA;
	v39 =	vshll.u32 v39, $0xA;
	[tilespmem:$0x40] =	vst v33;
	v33 =	vshll.u32 v37, $0xA  }
0x7f: {  	v37 =	vand.u32 $0xFFFFF800, v39;
	[tilespmem:$0x20] =	vst v32;
	v32 =	vshll.u32 v38, $0xA;
	v33 =	vand.u32 $0xFFFFF800, v33  }
0x80: {  	v37 =	vadd.s32 v0, v37;
	[tilespmem:$0x30] =	vst v34;
	v32 =	vand.u32 $0xFFFFF800, v32;
	v33 =	vadd.s32 v6, v33  }
0x81: {  	v35 =	vand.u32 $0xFFFFF800, v35;
	v34 =	vand.u32 $0xFFFFF800, v36;
	[tilespmem:$0x10] =	vst v37;
	v32 =	vadd.s32 v4, v32  }
0x82: {  	v35 =	vadd.s32 v5, v35;
	v34 =	vor.u32 v7, v34;
	[tilespmem:$0x70] =	vst v33  }
0x83: {  	[tilespmem:$0x50] =	vst v32  }
0x84: {  	[tilespmem:$0x60] =	vst v35  }
0x85: {  	[tilespmem:$0x0] =	vst v34  }
0x86: {  	[tilespmem:s6], [sflag:$0x1] =	stream.indirect.gather [hbm4b:s5+s7], $0x80, s2, s7, $0xb8;
	[tilespmem:$0x10200] =	vst v63  }
0x87: {  	v32 =	vld [tilespmem:$0x80]  }
0x88: {  	v33 =	vld [tilespmem:$0x90]  }
0x89: {  	v34 =	vld [tilespmem:$0xA0]  }
0x8a: {  	v35 =	vld [tilespmem:$0xB0]  }
0x8b: {  	v36 =	vld [tilespmem:$0xC0]  }
0x8c: {  	v32 =	vshll.u32 v32, $0xA  }
0x8d: {  	v32 =	vand.u32 $0xFFFFF800, v32;
	v33 =	vshll.u32 v33, $0xA;
	v37 =	vld [tilespmem:$0xF0]  }
0x8e: {  	v32 =	vadd.s32 v8, v32;
	v33 =	vand.u32 $0xFFFFF800, v33;
	v34 =	vshll.u32 v34, $0xA;
	v38 =	vld [tilespmem:$0xE0]  }
0x8f: {  	[tilespmem:$0x80] =	vst v32;
	v32 =	vadd.s32 v9, v33;
	v33 =	vand.u32 $0xFFFFF800, v34;
	v34 =	vshll.u32 v35, $0xA;
	v35 =	vld [tilespmem:$0xD0]  }
0x90: {  	[tilespmem:$0x90] =	vst v32;
	v32 =	vadd.s32 v10, v33;
	v33 =	vand.u32 $0xFFFFF800, v34;
	v34 =	vshll.u32 v36, $0xA  }
0x91: {  	[tilespmem:$0xA0] =	vst v32;
	v32 =	vadd.s32 v11, v33;
	v33 =	vand.u32 $0xFFFFF800, v34  }
0x92: {  	[tilespmem:$0xB0] =	vst v32;
	v32 =	vadd.s32 v12, v33;
	v33 =	vshll.u32 v37, $0xA  }
0x93: {  	[tilespmem:$0xC0] =	vst v32;
	v32 =	vshll.u32 v38, $0xA;
	v33 =	vand.u32 $0xFFFFF800, v33  }
0x94: {  	v34 =	vshll.u32 v35, $0xA;
	v32 =	vand.u32 $0xFFFFF800, v32;
	v33 =	vadd.s32 v14, v33  }
0x95: {  	v34 =	vand.u32 $0xFFFFF800, v34;
	v32 =	vadd.s32 v13, v32;
	[tilespmem:$0xF0] =	vst v33  }
0x96: {  	v33 =	vadd.s32 v15, v34;
	[tilespmem:$0xE0] =	vst v32  }
0x97: {  	[tilespmem:$0xD0] =	vst v33  }
0x98: {  	[tilespmem:s8], [sflag:$0x1] =	stream.indirect.gather [hbm4b:s5+s7], $0x80, s7, s7, $0xb8;
	[tilespmem:$0x10200] =	vst v63  }
0x99: {  	v32 =	vld [tilespmem:$0x100]  }
0x9a: {  	v33 =	vld [tilespmem:$0x110]  }
0x9b: {  	v34 =	vld [tilespmem:$0x120]  }
0x9c: {  	v35 =	vld [tilespmem:$0x130]  }
0x9d: {  	v36 =	vld [tilespmem:$0x150]  }
0x9e: {  	v32 =	vshll.u32 v32, $0xA;
	v37 =	vld [tilespmem:$0x160]  }
0x9f: {  	v32 =	vand.u32 $0xFFFFF800, v32;
	v33 =	vshll.u32 v33, $0xA;
	v38 =	vld [tilespmem:$0x170]  }
0xa0: {  	v32 =	vadd.s32 v16, v32;
	v33 =	vand.u32 $0xFFFFF800, v33;
	v34 =	vshll.u32 v34, $0xA;
	v39 =	vld [tilespmem:$0x140]  }
0xa1: {  	[tilespmem:$0x100] =	vst v32;
	v32 =	vadd.s32 v17, v33;
	v33 =	vand.u32 $0xFFFFF800, v34;
	v34 =	vshll.u32 v35, $0xA  }
0xa2: {  	[tilespmem:$0x110] =	vst v32;
	v32 =	vadd.s32 v18, v33;
	v33 =	vand.u32 $0xFFFFF800, v34;
	v34 =	vshll.u32 v36, $0xA  }
0xa3: {  	[tilespmem:$0x120] =	vst v32;
	v32 =	vadd.s32 v19, v33;
	v33 =	vand.u32 $0xFFFFF800, v34;
	v34 =	vshll.u32 v37, $0xA  }
0xa4: {  	[tilespmem:$0x130] =	vst v32;
	v32 =	vadd.s32 v21, v33;
	v33 =	vand.u32 $0xFFFFF800, v34;
	v34 =	vshll.u32 v38, $0xA  }
.Ltmp1:
0xa5: {  	v35 =	vshll.u32 v39, $0xA;
	[tilespmem:$0x150] =	vst v32;
	v32 =	vadd.s32 v22, v33;
	v33 =	vand.u32 $0xFFFFF800, v34;
	(pc) =	sbr.rel @p0 .LBB2_1-.Ltmp1, $4  }
0xa6: {  	v34 =	vand.u32 $0xFFFFF800, v35;
	[tilespmem:$0x160] =	vst v32;
	v32 =	vadd.s32 v23, v33  }
0xa7: {  	v33 =	vadd.s32 v20, v34;
	[tilespmem:$0x170] =	vst v32  }
0xa8: {  	[tilespmem:$0x140] =	vst v33  }
0xa9: {  	[tilespmem:s13], [sflag:$0x1] =	stream.indirect.gather [hbm4b:s5+s7], $0x80, s18, s7, $0xb8;
	[tilespmem:$0x10200] =	vst v63  }
.LBB2_2:
0xaa: {  	v0 =	vld [tilespmem:$0x1F0]  }
0xab: {  	v1 =	vld [tilespmem:$0x1E0]  }
0xac: {  	v2 =	vld [tilespmem:$0x1D0]  }
0xad: {  	v3 =	vld [tilespmem:$0x1C0]  }
0xae: {  	v4 =	vld [tilespmem:$0x1B0]  }
0xaf: {  	v5 =	vld [tilespmem:$0x1A0];
	v0 =	vshll.u32 v0, $0xA  }
0xb0: {  	v6 =	vld [tilespmem:$0x190];
	v1 =	vshll.u32 v1, $0xA;
	v0 =	vand.u32 $0xFFFFF800, v0  }
0xb1: {  	v7 =	vld [tilespmem:$0x180];
	v2 =	vshll.u32 v2, $0xA;
	v1 =	vand.u32 $0xFFFFF800, v1;
	v0 =	vadd.s32 v31, v0  }
0xb2: {  	v3 =	vshll.u32 v3, $0xA;
	v2 =	vand.u32 $0xFFFFF800, v2;
	v1 =	vadd.s32 v30, v1;
	[tilespmem:$0x1F0] =	vst v0  }
0xb3: {  	v59 =	vshll.u32 v4, $0xA;
	v3 =	vand.u32 $0xFFFFF800, v3;
	v2 =	vadd.s32 v29, v2;
	[tilespmem:$0x1E0] =	vst v1  }
0xb4: {  	v60 =	vshll.u32 v5, $0xA;
	v3 =	vadd.s32 v28, v3;
	v0 =	vand.u32 $0xFFFFF800, v59;
	[tilespmem:$0x1D0] =	vst v2  }
0xb5: {  	v61 =	vshll.u32 v6, $0xA;
	v1 =	vand.u32 $0xFFFFF800, v60;
	[tilespmem:$0x1C0] =	vst v3;
	v0 =	vadd.s32 v27, v0  }
0xb6: {  	v62 =	vshll.u32 v7, $0xA;
	v2 =	vand.u32 $0xFFFFF800, v61;
	v1 =	vadd.s32 v26, v1;
	[tilespmem:$0x1B0] =	vst v0  }
0xb7: {  	v63 =	vand.u32 $0xFFFFF800, v62;
	v2 =	vadd.s32 v25, v2;
	[tilespmem:$0x1A0] =	vst v1  }
0xb8: {  	v0 =	vadd.s32 v24, v63;
	[tilespmem:$0x190] =	vst v2  }
0xb9: {  	[tilespmem:$0x180] =	vst v0  }
0xba: {  	[tilespmem:s15], [sflag:$0x1] =	stream.indirect.gather [hbm4b:s5+s7], $0x80, s17, s7, $0xb8;
	[tilespmem:$0x10200] =	vst v63  }
0xbb: {  	_ =	swait.ge [sflag:s16], $0x4000  }
0xbc: {  	[sflag:s16] =	ssyncset.done $0x0  }
0xbd: {  	[sflag:s16] =	ssyncadd.s32 $0xFFFFC000  }
0xbe: {  	[hbm4b:s9+s2] =	stream.linear.scatter [tilespmem:s6], [sflag:$0x2], $0x4000, $0x38;
	[tilespmem:$0x10200] =	vst v63  }
0xbf: {  	_ =	swait.ge [sflag:s16], $0x4000  }
0xc0: {  	[sflag:s16] =	ssyncset.done $0x0  }
0xc1: {  	[sflag:s16] =	ssyncadd.s32 $0xFFFFC000  }
0xc2: {  	[hbm4b:s11+s2] =	stream.linear.scatter [tilespmem:s8], [sflag:$0x2], $0x4000, $0x38;
	[tilespmem:$0x10200] =	vst v63  }
0xc3: {  	_ =	swait.ge [sflag:s16], $0x4000  }
0xc4: {  	[sflag:s16] =	ssyncset.done $0x0  }
0xc5: {  	[sflag:s16] =	ssyncadd.s32 $0xFFFFC000  }
0xc6: {  	[hbm4b:s10+s2] =	stream.linear.scatter [tilespmem:s13], [sflag:$0x2], $0x4000, $0x38;
	[tilespmem:$0x10200] =	vst v63  }
0xc7: {  	_ =	swait.ge [sflag:s16], $0x4000  }
0xc8: {  	[sflag:s16] =	ssyncset.done $0x0  }
0xc9: {  	[sflag:s16] =	ssyncadd.s32 $0xFFFFC000  }
0xca: {  	[hbm4b:s12+s2] =	stream.linear.scatter [tilespmem:s15], [sflag:$0x2], $0x4000, $0x38;
	[tilespmem:$0x10200] =	vst v63  }
0xcb: {  	_ =	swait.ge [sflag:s14], $0x4000  }
0xcc: {  	[sflag:s14] =	ssyncset.done $0x0  }
0xcd: {  	[sflag:s14] =	ssyncadd.s32 $0xFFFFC000  }
0xce: {  	_ =	swait.ge [sflag:s14], $0x4000  }
0xcf: {  	[sflag:s14] =	ssyncset.done $0x0  }
0xd0: {  	[sflag:s14] =	ssyncadd.s32 $0xFFFFC000  }
0xd1: {  	_ =	swait.ge [sflag:s14], $0x4000  }
0xd2: {  	[sflag:s14] =	ssyncset.done $0x0  }
0xd3: {  	[sflag:s14] =	ssyncadd.s32 $0xFFFFC000  }
0xd4: {  	_ =	swait.ge [sflag:s14], $0x4000  }
0xd5: {  	[sflag:s14] =	ssyncset.done $0x0  }
0xd6: {  	[sflag:s14] =	ssyncadd.s32 $0xFFFFC000  }
0xd7: {  	_ =	sfence.sel $0x180000  }
0xd8: {  	[bflag:$0x0] =	sbarrier.arrive $0xFFFF  }
0xd9: {  	p0 =	sne.s32 s0, $0x0;
	_ =	strace $0x90000047  }
0xda: {  	s0 =	sadd.s32 @!p0 $0x100000, s1;
	[bflag:$0x2] =	sbarrier.arrive $0xFFFF  }
0xdb: {  	[sflag:s0] =	ssyncadd.tile.s32 @!p0 $0x1;
	_ =	shalt  }
.Lfunc_end2:
_tile_overlayer_lowered:
.L_overlay_start_2:
0xdc: {  	(tag) =	ssettag $0x2  }
0xdd: {  	s0 =	rddreg [dreg:$0x0];
	s2 =	stileid.u32  }
0xde: {  	s1 =	rddreg [dreg:$0x1];
	p0 =	sne.s32 s2, $0x0  }
0xdf: {  	s3 =	rddreg [dreg:$0x2];
	[bflag:$0x3] =	sbarrier.arrive $0xFFFF;
	s2 =	simm.s32 @!p0 $0x1C03  }
0xe0: {  	[timem:s3], [sflag:s2] =	dma.local @!p0 [hbm:s0], s1  }
0xe1: {  	s0 =	simm.s32 @!p0 $0x3  }
0xe2: {  	_ =	swait.ge @!p0 [sflag:s0], s1  }
0xe3: {  	s1 =	ssub.s32 @!p0 $0x0, s1;
	[sflag:s0] =	ssyncset.done @!p0 $0x0  }
0xe4: {  	[sflag:s0] =	ssyncadd.s32 @!p0 s1  }
0xe5: {  	[bflag:$0x3] =	sbarrier.arrive $0xFFFF  }
0xe6: {  	_ =	shalt  }

</sc_bundles>
